<compile_context>
chip_gen: v7x
topology: tpu7x:2x2x1
jax: 0.10.2.dev20260603
libtpu: 0.0.44.dev20260713+nightly
codegen_flags: <defaults>
</compile_context>

<pallas_src>
import functools

import jax
import jax.numpy as jnp
from jax import lax
from jax.experimental import pallas as pl
from jax.experimental.pallas import tpu as pltpu
from jax.experimental.pallas import tpu_sc as plsc

K = 16
TQ = 256
CH = 8


def _dist_tile(ref_ref, q_ref, out_ref):
    r = ref_ref[0]
    q = q_ref[0]
    r2 = jnp.sum(r * r, axis=0)
    q2 = jnp.sum(q * q, axis=0)
    m = jax.lax.dot_general(
        q, r, (((0,), (0,)), ((), ())),
        preferred_element_type=jnp.float32)
    out_ref[0] = (r2[None, :] + q2[:, None]) - 2.0 * m


NC = 2
NS = 16


def _make_sc_topk(rows, n_ref):
    nw = NC * NS
    rpw = rows // nw
    nv = n_ref // 16
    mesh = plsc.VectorSubcoreMesh(core_axis_name="c", subcore_axis_name="s",
                                  num_cores=NC, num_subcores=NS)

    @functools.partial(
        pl.kernel, mesh=mesh,
        out_type=jax.ShapeDtypeStruct((rows, K), jnp.int32),
        compiler_params=pltpu.CompilerParams(needs_layout_passes=False),
        scratch_types=[
            pltpu.VMEM((CH, n_ref), jnp.float32),
            pltpu.VMEM((CH, K), jnp.int32),
        ],
    )
    def sc_topk(d_hbm, out_hbm, buf, obuf):
        c = lax.axis_index("c")
        s = lax.axis_index("s")
        wid = s * NC + c
        base = wid * rpw

        inf16 = jnp.full((K,), jnp.inf, jnp.float32)
        zero16 = jnp.zeros((K,), jnp.int32)
        lane16 = lax.iota(jnp.int32, 16)

        def do_chunk(ci, _):
            r0 = base + ci * CH
            pltpu.sync_copy(d_hbm.at[pl.ds(r0, CH)], buf)
            for rr in range(CH):
                def scan_vreg(j, carry):
                    bestv, besti, t = carry
                    v = buf[rr, pl.ds(j * 16, 16)]
                    hit = jnp.sum(jnp.where(v < t, 1, 0))

                    def merge(cc):
                        bv, bi, _ = cc
                        idxv = lane16 + j * 16
                        sv, si = plsc.sort_key_val(v, idxv)
                        rb = lax.rev(bv, (0,))
                        rbi = lax.rev(bi, (0,))
                        sel = sv < rb
                        lo = jnp.where(sel, sv, rb)
                        loi = jnp.where(sel, si, rbi)
                        nv2, ni2 = plsc.sort_key_val(lo, loi)
                        return nv2, ni2, jnp.max(nv2)

                    return lax.cond(hit > 0, merge, lambda cc: cc,
                                    (bestv, besti, t))

                _, besti, _ = lax.fori_loop(
                    0, nv, scan_vreg,
                    (inf16, zero16, jnp.float32(jnp.inf)))
                obuf[rr] = besti
            pltpu.sync_copy(obuf, out_hbm.at[pl.ds(r0, CH)])
            return 0

        lax.fori_loop(0, rpw // CH, do_chunk, 0)

    return sc_topk


@jax.jit
def kernel(ref, query):
    B, dim, n_ref = ref.shape
    n_query = query.shape[2]
    grid = (B, n_query // TQ)
    d = pl.pallas_call(
        _dist_tile,
        grid=grid,
        in_specs=[
            pl.BlockSpec((1, dim, n_ref), lambda b, j: (b, 0, 0)),
            pl.BlockSpec((1, dim, TQ), lambda b, j: (b, 0, j)),
        ],
        out_specs=pl.BlockSpec((1, TQ, n_ref), lambda b, j: (b, j, 0)),
        out_shape=jax.ShapeDtypeStruct((B, n_query, n_ref), jnp.float32),
    )(ref, query)
    rows = B * n_query
    idx = _make_sc_topk(rows, n_ref)(d.reshape(rows, n_ref))
    return idx.reshape(B, n_query, K).transpose(0, 2, 1)

# --- scband reference (transcript-rebuilt; emitter-appended) ---
"""Pipeline reference for scband-knearest-neighbor-31559419691267 (READ-ONLY COPY).

The authoritative reference and input builder live on the scoring server;
editing this copy changes nothing except your own understanding.
"""

import jax, jax.numpy as jnp
import numpy as np

K = 16

def setup_inputs(seed: int = 0) -> dict:
    key = jax.random.key(seed)
    k1, k2 = jax.random.split(key)
    ref = jax.random.normal(k1, (4, 256, 4096), dtype=jnp.float32)
    query = jax.random.normal(k2, (4, 256, 4096), dtype=jnp.float32)
    return {"ref": ref, "query": query}

def reference(ref, query):
    # ref: [B, dim, n_ref], query: [B, dim, n_query]
    # Mirrors knn_pytorch CUDA ext: per-batch squared-Euclidean distances
    # between ref columns and query columns, then k smallest ref indices
    # per query point. Output: [B, K, n_query] (0-based indices).
    def knn_one(r, q):
        r2 = jnp.sum(r * r, axis=0)            # [n_ref]
        q2 = jnp.sum(q * q, axis=0)            # [n_query]
        d = r2[:, None] + q2[None, :] - 2.0 * (r.T @ q)  # [n_ref, n_query]
        _, idx = jax.lax.top_k(-d.T, K)        # [n_query, K] smallest dists
        return idx.T                            # [K, n_query]
    return jax.vmap(knn_one)(ref, query)

if __name__ == "__main__":
    import jax
    _d = setup_inputs()
    print(jax.jit(kernel)(*tuple(_d.values())))

</pallas_src>

<mosaic_0001>
#map = affine_map<(d0, d1) -> (0, 0)>
module attributes {stable_mosaic.version = 14 : i64} {
  func.func @sc_topk(%arg0: i32, %arg1: i32, %arg2: memref<16384x4096xf32, #tpu.memory_space<hbm>>, %arg3: memref<16384x16xi32, #tpu.memory_space<hbm>>, %arg4: memref<8x4096xf32, #tpu.memory_space<vmem>>, %arg5: memref<8x16xi32, #tpu.memory_space<vmem>>) attributes {dimension_semantics = [#tpu.dimension_semantics<core_parallel>, #tpu.dimension_semantics<subcore_parallel>], iteration_bounds = array<i64: 2, 16>, scalar_prefetch = 0 : i64, scratch_operands = 2 : i64, tpu.core_type = #tpu.core_type<sc_vector_subcore>, window_params = [{transform_indices = #map}, {transform_indices = #map}]} {
    %mul3A = arith.constant 2 : i32
    %mul3A_0 = arith.muli %arg1, %mul3A : i32
    %add3A = arith.addi %mul3A_0, %arg0 : i32
    %mul3A_1 = arith.constant 512 : i32
    %mul3A_2 = arith.muli %add3A, %mul3A_1 : i32
    %broadcast_in_dim3A = arith.constant 0x7F800000 : f32
    %broadcast_in_dim3A_3 = vector.broadcast %broadcast_in_dim3A : f32 to vector<16xf32>
    %broadcast_in_dim3A_4 = arith.constant 0 : i32
    %broadcast_in_dim3A_5 = vector.broadcast %broadcast_in_dim3A_4 : i32 to vector<16xi32>
    %iota3A = tpu.iota {dimensions = array<i32: 0>} : vector<16xi32>
    %scan3A = arith.constant 0 : i32
    %scan3A_6 = arith.constant 0 : i32
    %scan3A_7 = arith.constant 64 : i32
    %scan3A_8 = arith.addi %scan3A_6, %scan3A_7 : i32
    %scan3A_9 = arith.constant 1 : i32
    %scan3A_10 = scf.for %scan3A_12 = %scan3A_6 to %scan3A_8 step %scan3A_9 iter_args(%scan3A_13 = %scan3A) -> (i32)  : i32 {
      %mul3A_14 = arith.constant 8 : i32
      %mul3A_15 = arith.muli %scan3A_12, %mul3A_14 : i32
      %add3A_16 = arith.addi %mul3A_2, %mul3A_15 : i32
      "tpu.region"() ({
        %run_scoped3A = tpu.sem_alloc : memref<!tpu.dma_semaphore, #tpu.memory_space<semaphore_mem>>
        %dma_start3A = arith.constant 0 : i32
        %dma_start3A_105 = tpu.memref_slice %arg2[%add3A_16, %dma_start3A] : memref<16384x4096xf32, #tpu.memory_space<hbm>> -> memref<8x4096xf32, #tpu.memory_space<hbm>>
        %dma_start3A_106 = arith.constant 0 : i32
        %dma_start3A_107 = tpu.memref_slice %arg2[%add3A_16, %dma_start3A_106] : memref<16384x4096xf32, #tpu.memory_space<hbm>> -> memref<8x4096xf32, #tpu.memory_space<hbm>>
        tpu.enqueue_dma source(%dma_start3A_107 : memref<8x4096xf32, #tpu.memory_space<hbm>>) target(%arg4 : memref<8x4096xf32, #tpu.memory_space<vmem>>) target_semaphore(%run_scoped3A : memref<!tpu.dma_semaphore, #tpu.memory_space<semaphore_mem>>)
        %dma_wait3A = arith.constant 0 : i32
        %dma_wait3A_108 = tpu.memref_slice %arg2[%add3A_16, %dma_wait3A] : memref<16384x4096xf32, #tpu.memory_space<hbm>> -> memref<8x4096xf32, #tpu.memory_space<hbm>>
        %dma_wait3A_109 = arith.constant 0 : i32
        %dma_wait3A_110 = tpu.memref_slice %arg2[%add3A_16, %dma_wait3A_109] : memref<16384x4096xf32, #tpu.memory_space<hbm>> -> memref<8x4096xf32, #tpu.memory_space<hbm>>
        tpu.wait_dma2 semaphore(%run_scoped3A : memref<!tpu.dma_semaphore, #tpu.memory_space<semaphore_mem>>) src(%dma_wait3A_110 : memref<8x4096xf32, #tpu.memory_space<hbm>>) dst(%arg4 : memref<8x4096xf32, #tpu.memory_space<vmem>>)
        tpu.yield
      }) : () -> ()
      %scan3A_17 = arith.constant 0x7F800000 : f32
      %scan3A_18 = arith.constant 0 : i32
      %scan3A_19 = arith.constant 256 : i32
      %scan3A_20 = arith.addi %scan3A_18, %scan3A_19 : i32
      %scan3A_21 = arith.constant 1 : i32
      %scan3A_22:3 = scf.for %scan3A_105 = %scan3A_18 to %scan3A_20 step %scan3A_21 iter_args(%scan3A_106 = %broadcast_in_dim3A_3, %scan3A_107 = %broadcast_in_dim3A_5, %scan3A_108 = %scan3A_17) -> (vector<16xf32>, vector<16xi32>, f32)  : i32 {
        %mul3A_109 = arith.constant 16 : i32
        %mul3A_110 = arith.muli %scan3A_105, %mul3A_109 : i32
        %get3A = arith.constant 0 : i32
        %get3A_111 = arith.index_cast %get3A : i32 to index
        %get3A_112 = arith.index_cast %mul3A_110 : i32 to index
        %get3A_113 = tpu.vector_load %arg4[%get3A_111, %get3A_112] {strides = array<i32>} : memref<8x4096xf32, #tpu.memory_space<vmem>>, vector<16xf32>,
        %lt3A = vector.broadcast %scan3A_108 : f32 to vector<16xf32>
        %lt3A_114 = arith.cmpf olt, %get3A_113, %lt3A : vector<16xf32>
        %jit3A = arith.constant 1 : i32
        %jit3A_115 = arith.constant 0 : i32
        %broadcast_in_dim3A_116 = vector.broadcast %jit3A : i32 to vector<16xi32>
        %broadcast_in_dim3A_117 = vector.broadcast %jit3A_115 : i32 to vector<16xi32>
        %select_n3A = arith.select %lt3A_114, %broadcast_in_dim3A_116, %broadcast_in_dim3A_117 : vector<16xi1>, vector<16xi32>
        %reduce_sum3A = arith.constant true
        %reduce_sum3A_118 = vector.broadcast %reduce_sum3A : i1 to vector<16xi1>
        %reduce_sum3A_119 = tpu.scan <sum>, %select_n3A masked %reduce_sum3A_118 : vector<16xi32>, vector<16xi1> -> vector<16xi32>
        %reduce_sum3A_120 = vector.extract %reduce_sum3A_119[15] : i32 from vector<16xi32>
        %gt3A = arith.constant 0 : i32
        %gt3A_121 = arith.cmpi sgt, %reduce_sum3A_120, %gt3A : i32
        %convert_element_type3A = arith.extui %gt3A_121 : i1 to i32
        %cond3A = arith.constant 0 : i32
        %cond3A_122 = arith.cmpi ne, %convert_element_type3A, %cond3A : i32
        %cond3A_123:3 = scf.if %cond3A_122 -> (vector<16xf32>, vector<16xi32>, f32) {
          %mul3A_124 = arith.constant 16 : i32
          %mul3A_125 = arith.muli %scan3A_105, %mul3A_124 : i32
          %add3A_126 = vector.broadcast %mul3A_125 : i32 to vector<16xi32>
          %add3A_127 = arith.addi %iota3A, %add3A_126 : vector<16xi32>
          %masked_sort3A = arith.constant dense<true> : vector<16xi1>
          %masked_sort3A_128, %masked_sort3A_129, %masked_sort3A_130 = tpu.sort %get3A_113, %add3A_127 masked %masked_sort3A : (vector<16xf32>, vector<16xi32>, vector<16xi1>) -> (vector<16xi1>, vector<16xf32>, vector<16xi32>)
          %rev3A = arith.constant 15 : i32
          %rev3A_131 = vector.broadcast %rev3A : i32 to vector<16xi32>
          %rev3A_132 = tpu.iota {dimensions = array<i32: 0>} : vector<16xi32>
          %rev3A_133 = arith.subi %rev3A_131, %rev3A_132 : vector<16xi32>
          %rev3A_134 = tpu.dynamic_gather %scan3A_106[%rev3A_133] in [0] : vector<16xf32>, vector<16xi32> -> vector<16xf32>
          %rev3A_135 = arith.constant 15 : i32
          %rev3A_136 = vector.broadcast %rev3A_135 : i32 to vector<16xi32>
          %rev3A_137 = tpu.iota {dimensions = array<i32: 0>} : vector<16xi32>
          %rev3A_138 = arith.subi %rev3A_136, %rev3A_137 : vector<16xi32>
          %rev3A_139 = tpu.dynamic_gather %scan3A_107[%rev3A_138] in [0] : vector<16xi32>, vector<16xi32> -> vector<16xi32>
          %lt3A_140 = arith.cmpf olt, %masked_sort3A_129, %rev3A_134 : vector<16xf32>
          %select_n3A_141 = arith.select %lt3A_140, %masked_sort3A_129, %rev3A_134 : vector<16xi1>, vector<16xf32>
          %select_n3A_142 = arith.select %lt3A_140, %masked_sort3A_130, %rev3A_139 : vector<16xi1>, vector<16xi32>
          %masked_sort3A_143 = arith.constant dense<true> : vector<16xi1>
          %masked_sort3A_144, %masked_sort3A_145, %masked_sort3A_146 = tpu.sort %select_n3A_141, %select_n3A_142 masked %masked_sort3A_143 : (vector<16xf32>, vector<16xi32>, vector<16xi1>) -> (vector<16xi1>, vector<16xf32>, vector<16xi32>)
          %reduce_max3A = arith.constant true
          %reduce_max3A_147 = vector.broadcast %reduce_max3A : i1 to vector<16xi1>
          %reduce_max3A_148 = tpu.scan <max>, %masked_sort3A_145 masked %reduce_max3A_147 : vector<16xf32>, vector<16xi1> -> vector<16xf32>
          %reduce_max3A_149 = vector.extract %reduce_max3A_148[15] : f32 from vector<16xf32>
          scf.yield %masked_sort3A_145, %masked_sort3A_146, %reduce_max3A_149 : vector<16xf32>, vector<16xi32>, f32
        } else {
          scf.yield %scan3A_106, %scan3A_107, %scan3A_108 : vector<16xf32>, vector<16xi32>, f32
        }
        scf.yield %cond3A_123#0, %cond3A_123#1, %cond3A_123#2 : vector<16xf32>, vector<16xi32>, f32
      }
      %scan3A_23 = arith.constant 256 : i32
      %swap3A = arith.constant 0 : i32
      %swap3A_24 = arith.index_cast %swap3A : i32 to index
      %swap3A_25 = arith.constant 0 : index
      %swap3A_26 = tpu.vector_load %arg5[%swap3A_24, %swap3A_25] {strides = array<i32>} : memref<8x16xi32, #tpu.memory_space<vmem>>, vector<16xi32>,
      tpu.vector_store %arg5[%swap3A_24, %swap3A_25], %scan3A_22#1 {strides = array<i32>} : memref<8x16xi32, #tpu.memory_space<vmem>>, vector<16xi32>,
      %scan3A_27 = arith.constant 0x7F800000 : f32
      %scan3A_28 = arith.constant 0 : i32
      %scan3A_29 = arith.constant 256 : i32
      %scan3A_30 = arith.addi %scan3A_28, %scan3A_29 : i32
      %scan3A_31 = arith.constant 1 : i32
      %scan3A_32:3 = scf.for %scan3A_105 = %scan3A_28 to %scan3A_30 step %scan3A_31 iter_args(%scan3A_106 = %broadcast_in_dim3A_3, %scan3A_107 = %broadcast_in_dim3A_5, %scan3A_108 = %scan3A_27) -> (vector<16xf32>, vector<16xi32>, f32)  : i32 {
        %mul3A_109 = arith.constant 16 : i32
        %mul3A_110 = arith.muli %scan3A_105, %mul3A_109 : i32
        %get3A = arith.constant 1 : i32
        %get3A_111 = arith.index_cast %get3A : i32 to index
        %get3A_112 = arith.index_cast %mul3A_110 : i32 to index
        %get3A_113 = tpu.vector_load %arg4[%get3A_111, %get3A_112] {strides = array<i32>} : memref<8x4096xf32, #tpu.memory_space<vmem>>, vector<16xf32>,
        %lt3A = vector.broadcast %scan3A_108 : f32 to vector<16xf32>
        %lt3A_114 = arith.cmpf olt, %get3A_113, %lt3A : vector<16xf32>
        %jit3A = arith.constant 1 : i32
        %jit3A_115 = arith.constant 0 : i32
        %broadcast_in_dim3A_116 = vector.broadcast %jit3A : i32 to vector<16xi32>
        %broadcast_in_dim3A_117 = vector.broadcast %jit3A_115 : i32 to vector<16xi32>
        %select_n3A = arith.select %lt3A_114, %broadcast_in_dim3A_116, %broadcast_in_dim3A_117 : vector<16xi1>, vector<16xi32>
        %reduce_sum3A = arith.constant true
        %reduce_sum3A_118 = vector.broadcast %reduce_sum3A : i1 to vector<16xi1>
        %reduce_sum3A_119 = tpu.scan <sum>, %select_n3A masked %reduce_sum3A_118 : vector<16xi32>, vector<16xi1> -> vector<16xi32>
        %reduce_sum3A_120 = vector.extract %reduce_sum3A_119[15] : i32 from vector<16xi32>
        %gt3A = arith.constant 0 : i32
        %gt3A_121 = arith.cmpi sgt, %reduce_sum3A_120, %gt3A : i32
        %convert_element_type3A = arith.extui %gt3A_121 : i1 to i32
        %cond3A = arith.constant 0 : i32
        %cond3A_122 = arith.cmpi ne, %convert_element_type3A, %cond3A : i32
        %cond3A_123:3 = scf.if %cond3A_122 -> (vector<16xf32>, vector<16xi32>, f32) {
          %mul3A_124 = arith.constant 16 : i32
          %mul3A_125 = arith.muli %scan3A_105, %mul3A_124 : i32
          %add3A_126 = vector.broadcast %mul3A_125 : i32 to vector<16xi32>
          %add3A_127 = arith.addi %iota3A, %add3A_126 : vector<16xi32>
          %masked_sort3A = arith.constant dense<true> : vector<16xi1>
          %masked_sort3A_128, %masked_sort3A_129, %masked_sort3A_130 = tpu.sort %get3A_113, %add3A_127 masked %masked_sort3A : (vector<16xf32>, vector<16xi32>, vector<16xi1>) -> (vector<16xi1>, vector<16xf32>, vector<16xi32>)
          %rev3A = arith.constant 15 : i32
          %rev3A_131 = vector.broadcast %rev3A : i32 to vector<16xi32>
          %rev3A_132 = tpu.iota {dimensions = array<i32: 0>} : vector<16xi32>
          %rev3A_133 = arith.subi %rev3A_131, %rev3A_132 : vector<16xi32>
          %rev3A_134 = tpu.dynamic_gather %scan3A_106[%rev3A_133] in [0] : vector<16xf32>, vector<16xi32> -> vector<16xf32>
          %rev3A_135 = arith.constant 15 : i32
          %rev3A_136 = vector.broadcast %rev3A_135 : i32 to vector<16xi32>
          %rev3A_137 = tpu.iota {dimensions = array<i32: 0>} : vector<16xi32>
          %rev3A_138 = arith.subi %rev3A_136, %rev3A_137 : vector<16xi32>
          %rev3A_139 = tpu.dynamic_gather %scan3A_107[%rev3A_138] in [0] : vector<16xi32>, vector<16xi32> -> vector<16xi32>
          %lt3A_140 = arith.cmpf olt, %masked_sort3A_129, %rev3A_134 : vector<16xf32>
          %select_n3A_141 = arith.select %lt3A_140, %masked_sort3A_129, %rev3A_134 : vector<16xi1>, vector<16xf32>
          %select_n3A_142 = arith.select %lt3A_140, %masked_sort3A_130, %rev3A_139 : vector<16xi1>, vector<16xi32>
          %masked_sort3A_143 = arith.constant dense<true> : vector<16xi1>
          %masked_sort3A_144, %masked_sort3A_145, %masked_sort3A_146 = tpu.sort %select_n3A_141, %select_n3A_142 masked %masked_sort3A_143 : (vector<16xf32>, vector<16xi32>, vector<16xi1>) -> (vector<16xi1>, vector<16xf32>, vector<16xi32>)
          %reduce_max3A = arith.constant true
          %reduce_max3A_147 = vector.broadcast %reduce_max3A : i1 to vector<16xi1>
          %reduce_max3A_148 = tpu.scan <max>, %masked_sort3A_145 masked %reduce_max3A_147 : vector<16xf32>, vector<16xi1> -> vector<16xf32>
          %reduce_max3A_149 = vector.extract %reduce_max3A_148[15] : f32 from vector<16xf32>
          scf.yield %masked_sort3A_145, %masked_sort3A_146, %reduce_max3A_149 : vector<16xf32>, vector<16xi32>, f32
        } else {
          scf.yield %scan3A_106, %scan3A_107, %scan3A_108 : vector<16xf32>, vector<16xi32>, f32
        }
        scf.yield %cond3A_123#0, %cond3A_123#1, %cond3A_123#2 : vector<16xf32>, vector<16xi32>, f32
      }
      %scan3A_33 = arith.constant 256 : i32
      %swap3A_34 = arith.constant 1 : i32
      %swap3A_35 = arith.index_cast %swap3A_34 : i32 to index
      %swap3A_36 = arith.constant 0 : index
      %swap3A_37 = tpu.vector_load %arg5[%swap3A_35, %swap3A_36] {strides = array<i32>} : memref<8x16xi32, #tpu.memory_space<vmem>>, vector<16xi32>,
      tpu.vector_store %arg5[%swap3A_35, %swap3A_36], %scan3A_32#1 {strides = array<i32>} : memref<8x16xi32, #tpu.memory_space<vmem>>, vector<16xi32>,
      %scan3A_38 = arith.constant 0x7F800000 : f32
      %scan3A_39 = arith.constant 0 : i32
      %scan3A_40 = arith.constant 256 : i32
      %scan3A_41 = arith.addi %scan3A_39, %scan3A_40 : i32
      %scan3A_42 = arith.constant 1 : i32
      %scan3A_43:3 = scf.for %scan3A_105 = %scan3A_39 to %scan3A_41 step %scan3A_42 iter_args(%scan3A_106 = %broadcast_in_dim3A_3, %scan3A_107 = %broadcast_in_dim3A_5, %scan3A_108 = %scan3A_38) -> (vector<16xf32>, vector<16xi32>, f32)  : i32 {
        %mul3A_109 = arith.constant 16 : i32
        %mul3A_110 = arith.muli %scan3A_105, %mul3A_109 : i32
        %get3A = arith.constant 2 : i32
        %get3A_111 = arith.index_cast %get3A : i32 to index
        %get3A_112 = arith.index_cast %mul3A_110 : i32 to index
        %get3A_113 = tpu.vector_load %arg4[%get3A_111, %get3A_112] {strides = array<i32>} : memref<8x4096xf32, #tpu.memory_space<vmem>>, vector<16xf32>,
        %lt3A = vector.broadcast %scan3A_108 : f32 to vector<16xf32>
        %lt3A_114 = arith.cmpf olt, %get3A_113, %lt3A : vector<16xf32>
        %jit3A = arith.constant 1 : i32
        %jit3A_115 = arith.constant 0 : i32
        %broadcast_in_dim3A_116 = vector.broadcast %jit3A : i32 to vector<16xi32>
        %broadcast_in_dim3A_117 = vector.broadcast %jit3A_115 : i32 to vector<16xi32>
        %select_n3A = arith.select %lt3A_114, %broadcast_in_dim3A_116, %broadcast_in_dim3A_117 : vector<16xi1>, vector<16xi32>
        %reduce_sum3A = arith.constant true
        %reduce_sum3A_118 = vector.broadcast %reduce_sum3A : i1 to vector<16xi1>
        %reduce_sum3A_119 = tpu.scan <sum>, %select_n3A masked %reduce_sum3A_118 : vector<16xi32>, vector<16xi1> -> vector<16xi32>
        %reduce_sum3A_120 = vector.extract %reduce_sum3A_119[15] : i32 from vector<16xi32>
        %gt3A = arith.constant 0 : i32
        %gt3A_121 = arith.cmpi sgt, %reduce_sum3A_120, %gt3A : i32
        %convert_element_type3A = arith.extui %gt3A_121 : i1 to i32
        %cond3A = arith.constant 0 : i32
        %cond3A_122 = arith.cmpi ne, %convert_element_type3A, %cond3A : i32
        %cond3A_123:3 = scf.if %cond3A_122 -> (vector<16xf32>, vector<16xi32>, f32) {
          %mul3A_124 = arith.constant 16 : i32
          %mul3A_125 = arith.muli %scan3A_105, %mul3A_124 : i32
          %add3A_126 = vector.broadcast %mul3A_125 : i32 to vector<16xi32>
          %add3A_127 = arith.addi %iota3A, %add3A_126 : vector<16xi32>
          %masked_sort3A = arith.constant dense<true> : vector<16xi1>
          %masked_sort3A_128, %masked_sort3A_129, %masked_sort3A_130 = tpu.sort %get3A_113, %add3A_127 masked %masked_sort3A : (vector<16xf32>, vector<16xi32>, vector<16xi1>) -> (vector<16xi1>, vector<16xf32>, vector<16xi32>)
          %rev3A = arith.constant 15 : i32
          %rev3A_131 = vector.broadcast %rev3A : i32 to vector<16xi32>
          %rev3A_132 = tpu.iota {dimensions = array<i32: 0>} : vector<16xi32>
          %rev3A_133 = arith.subi %rev3A_131, %rev3A_132 : vector<16xi32>
          %rev3A_134 = tpu.dynamic_gather %scan3A_106[%rev3A_133] in [0] : vector<16xf32>, vector<16xi32> -> vector<16xf32>
          %rev3A_135 = arith.constant 15 : i32
          %rev3A_136 = vector.broadcast %rev3A_135 : i32 to vector<16xi32>
          %rev3A_137 = tpu.iota {dimensions = array<i32: 0>} : vector<16xi32>
          %rev3A_138 = arith.subi %rev3A_136, %rev3A_137 : vector<16xi32>
          %rev3A_139 = tpu.dynamic_gather %scan3A_107[%rev3A_138] in [0] : vector<16xi32>, vector<16xi32> -> vector<16xi32>
          %lt3A_140 = arith.cmpf olt, %masked_sort3A_129, %rev3A_134 : vector<16xf32>
          %select_n3A_141 = arith.select %lt3A_140, %masked_sort3A_129, %rev3A_134 : vector<16xi1>, vector<16xf32>
          %select_n3A_142 = arith.select %lt3A_140, %masked_sort3A_130, %rev3A_139 : vector<16xi1>, vector<16xi32>
          %masked_sort3A_143 = arith.constant dense<true> : vector<16xi1>
          %masked_sort3A_144, %masked_sort3A_145, %masked_sort3A_146 = tpu.sort %select_n3A_141, %select_n3A_142 masked %masked_sort3A_143 : (vector<16xf32>, vector<16xi32>, vector<16xi1>) -> (vector<16xi1>, vector<16xf32>, vector<16xi32>)
          %reduce_max3A = arith.constant true
          %reduce_max3A_147 = vector.broadcast %reduce_max3A : i1 to vector<16xi1>
          %reduce_max3A_148 = tpu.scan <max>, %masked_sort3A_145 masked %reduce_max3A_147 : vector<16xf32>, vector<16xi1> -> vector<16xf32>
          %reduce_max3A_149 = vector.extract %reduce_max3A_148[15] : f32 from vector<16xf32>
          scf.yield %masked_sort3A_145, %masked_sort3A_146, %reduce_max3A_149 : vector<16xf32>, vector<16xi32>, f32
        } else {
          scf.yield %scan3A_106, %scan3A_107, %scan3A_108 : vector<16xf32>, vector<16xi32>, f32
        }
        scf.yield %cond3A_123#0, %cond3A_123#1, %cond3A_123#2 : vector<16xf32>, vector<16xi32>, f32
      }
      %scan3A_44 = arith.constant 256 : i32
      %swap3A_45 = arith.constant 2 : i32
      %swap3A_46 = arith.index_cast %swap3A_45 : i32 to index
      %swap3A_47 = arith.constant 0 : index
      %swap3A_48 = tpu.vector_load %arg5[%swap3A_46, %swap3A_47] {strides = array<i32>} : memref<8x16xi32, #tpu.memory_space<vmem>>, vector<16xi32>,
      tpu.vector_store %arg5[%swap3A_46, %swap3A_47], %scan3A_43#1 {strides = array<i32>} : memref<8x16xi32, #tpu.memory_space<vmem>>, vector<16xi32>,
      %scan3A_49 = arith.constant 0x7F800000 : f32
      %scan3A_50 = arith.constant 0 : i32
      %scan3A_51 = arith.constant 256 : i32
      %scan3A_52 = arith.addi %scan3A_50, %scan3A_51 : i32
      %scan3A_53 = arith.constant 1 : i32
      %scan3A_54:3 = scf.for %scan3A_105 = %scan3A_50 to %scan3A_52 step %scan3A_53 iter_args(%scan3A_106 = %broadcast_in_dim3A_3, %scan3A_107 = %broadcast_in_dim3A_5, %scan3A_108 = %scan3A_49) -> (vector<16xf32>, vector<16xi32>, f32)  : i32 {
        %mul3A_109 = arith.constant 16 : i32
        %mul3A_110 = arith.muli %scan3A_105, %mul3A_109 : i32
        %get3A = arith.constant 3 : i32
        %get3A_111 = arith.index_cast %get3A : i32 to index
        %get3A_112 = arith.index_cast %mul3A_110 : i32 to index
        %get3A_113 = tpu.vector_load %arg4[%get3A_111, %get3A_112] {strides = array<i32>} : memref<8x4096xf32, #tpu.memory_space<vmem>>, vector<16xf32>,
        %lt3A = vector.broadcast %scan3A_108 : f32 to vector<16xf32>
        %lt3A_114 = arith.cmpf olt, %get3A_113, %lt3A : vector<16xf32>
        %jit3A = arith.constant 1 : i32
        %jit3A_115 = arith.constant 0 : i32
        %broadcast_in_dim3A_116 = vector.broadcast %jit3A : i32 to vector<16xi32>
        %broadcast_in_dim3A_117 = vector.broadcast %jit3A_115 : i32 to vector<16xi32>
        %select_n3A = arith.select %lt3A_114, %broadcast_in_dim3A_116, %broadcast_in_dim3A_117 : vector<16xi1>, vector<16xi32>
        %reduce_sum3A = arith.constant true
        %reduce_sum3A_118 = vector.broadcast %reduce_sum3A : i1 to vector<16xi1>
        %reduce_sum3A_119 = tpu.scan <sum>, %select_n3A masked %reduce_sum3A_118 : vector<16xi32>, vector<16xi1> -> vector<16xi32>
        %reduce_sum3A_120 = vector.extract %reduce_sum3A_119[15] : i32 from vector<16xi32>
        %gt3A = arith.constant 0 : i32
        %gt3A_121 = arith.cmpi sgt, %reduce_sum3A_120, %gt3A : i32
        %convert_element_type3A = arith.extui %gt3A_121 : i1 to i32
        %cond3A = arith.constant 0 : i32
        %cond3A_122 = arith.cmpi ne, %convert_element_type3A, %cond3A : i32
        %cond3A_123:3 = scf.if %cond3A_122 -> (vector<16xf32>, vector<16xi32>, f32) {
          %mul3A_124 = arith.constant 16 : i32
          %mul3A_125 = arith.muli %scan3A_105, %mul3A_124 : i32
          %add3A_126 = vector.broadcast %mul3A_125 : i32 to vector<16xi32>
          %add3A_127 = arith.addi %iota3A, %add3A_126 : vector<16xi32>
          %masked_sort3A = arith.constant dense<true> : vector<16xi1>
          %masked_sort3A_128, %masked_sort3A_129, %masked_sort3A_130 = tpu.sort %get3A_113, %add3A_127 masked %masked_sort3A : (vector<16xf32>, vector<16xi32>, vector<16xi1>) -> (vector<16xi1>, vector<16xf32>, vector<16xi32>)
          %rev3A = arith.constant 15 : i32
          %rev3A_131 = vector.broadcast %rev3A : i32 to vector<16xi32>
          %rev3A_132 = tpu.iota {dimensions = array<i32: 0>} : vector<16xi32>
          %rev3A_133 = arith.subi %rev3A_131, %rev3A_132 : vector<16xi32>
          %rev3A_134 = tpu.dynamic_gather %scan3A_106[%rev3A_133] in [0] : vector<16xf32>, vector<16xi32> -> vector<16xf32>
          %rev3A_135 = arith.constant 15 : i32
          %rev3A_136 = vector.broadcast %rev3A_135 : i32 to vector<16xi32>
          %rev3A_137 = tpu.iota {dimensions = array<i32: 0>} : vector<16xi32>
          %rev3A_138 = arith.subi %rev3A_136, %rev3A_137 : vector<16xi32>
          %rev3A_139 = tpu.dynamic_gather %scan3A_107[%rev3A_138] in [0] : vector<16xi32>, vector<16xi32> -> vector<16xi32>
          %lt3A_140 = arith.cmpf olt, %masked_sort3A_129, %rev3A_134 : vector<16xf32>
          %select_n3A_141 = arith.select %lt3A_140, %masked_sort3A_129, %rev3A_134 : vector<16xi1>, vector<16xf32>
          %select_n3A_142 = arith.select %lt3A_140, %masked_sort3A_130, %rev3A_139 : vector<16xi1>, vector<16xi32>
          %masked_sort3A_143 = arith.constant dense<true> : vector<16xi1>
          %masked_sort3A_144, %masked_sort3A_145, %masked_sort3A_146 = tpu.sort %select_n3A_141, %select_n3A_142 masked %masked_sort3A_143 : (vector<16xf32>, vector<16xi32>, vector<16xi1>) -> (vector<16xi1>, vector<16xf32>, vector<16xi32>)
          %reduce_max3A = arith.constant true
          %reduce_max3A_147 = vector.broadcast %reduce_max3A : i1 to vector<16xi1>
          %reduce_max3A_148 = tpu.scan <max>, %masked_sort3A_145 masked %reduce_max3A_147 : vector<16xf32>, vector<16xi1> -> vector<16xf32>
          %reduce_max3A_149 = vector.extract %reduce_max3A_148[15] : f32 from vector<16xf32>
          scf.yield %masked_sort3A_145, %masked_sort3A_146, %reduce_max3A_149 : vector<16xf32>, vector<16xi32>, f32
        } else {
          scf.yield %scan3A_106, %scan3A_107, %scan3A_108 : vector<16xf32>, vector<16xi32>, f32
        }
        scf.yield %cond3A_123#0, %cond3A_123#1, %cond3A_123#2 : vector<16xf32>, vector<16xi32>, f32
      }
      %scan3A_55 = arith.constant 256 : i32
      %swap3A_56 = arith.constant 3 : i32
      %swap3A_57 = arith.index_cast %swap3A_56 : i32 to index
      %swap3A_58 = arith.constant 0 : index
      %swap3A_59 = tpu.vector_load %arg5[%swap3A_57, %swap3A_58] {strides = array<i32>} : memref<8x16xi32, #tpu.memory_space<vmem>>, vector<16xi32>,
      tpu.vector_store %arg5[%swap3A_57, %swap3A_58], %scan3A_54#1 {strides = array<i32>} : memref<8x16xi32, #tpu.memory_space<vmem>>, vector<16xi32>,
      %scan3A_60 = arith.constant 0x7F800000 : f32
      %scan3A_61 = arith.constant 0 : i32
      %scan3A_62 = arith.constant 256 : i32
      %scan3A_63 = arith.addi %scan3A_61, %scan3A_62 : i32
      %scan3A_64 = arith.constant 1 : i32
      %scan3A_65:3 = scf.for %scan3A_105 = %scan3A_61 to %scan3A_63 step %scan3A_64 iter_args(%scan3A_106 = %broadcast_in_dim3A_3, %scan3A_107 = %broadcast_in_dim3A_5, %scan3A_108 = %scan3A_60) -> (vector<16xf32>, vector<16xi32>, f32)  : i32 {
        %mul3A_109 = arith.constant 16 : i32
        %mul3A_110 = arith.muli %scan3A_105, %mul3A_109 : i32
        %get3A = arith.constant 4 : i32
        %get3A_111 = arith.index_cast %get3A : i32 to index
        %get3A_112 = arith.index_cast %mul3A_110 : i32 to index
        %get3A_113 = tpu.vector_load %arg4[%get3A_111, %get3A_112] {strides = array<i32>} : memref<8x4096xf32, #tpu.memory_space<vmem>>, vector<16xf32>,
        %lt3A = vector.broadcast %scan3A_108 : f32 to vector<16xf32>
        %lt3A_114 = arith.cmpf olt, %get3A_113, %lt3A : vector<16xf32>
        %jit3A = arith.constant 1 : i32
        %jit3A_115 = arith.constant 0 : i32
        %broadcast_in_dim3A_116 = vector.broadcast %jit3A : i32 to vector<16xi32>
        %broadcast_in_dim3A_117 = vector.broadcast %jit3A_115 : i32 to vector<16xi32>
        %select_n3A = arith.select %lt3A_114, %broadcast_in_dim3A_116, %broadcast_in_dim3A_117 : vector<16xi1>, vector<16xi32>
        %reduce_sum3A = arith.constant true
        %reduce_sum3A_118 = vector.broadcast %reduce_sum3A : i1 to vector<16xi1>
        %reduce_sum3A_119 = tpu.scan <sum>, %select_n3A masked %reduce_sum3A_118 : vector<16xi32>, vector<16xi1> -> vector<16xi32>
        %reduce_sum3A_120 = vector.extract %reduce_sum3A_119[15] : i32 from vector<16xi32>
        %gt3A = arith.constant 0 : i32
        %gt3A_121 = arith.cmpi sgt, %reduce_sum3A_120, %gt3A : i32
        %convert_element_type3A = arith.extui %gt3A_121 : i1 to i32
        %cond3A = arith.constant 0 : i32
        %cond3A_122 = arith.cmpi ne, %convert_element_type3A, %cond3A : i32
        %cond3A_123:3 = scf.if %cond3A_122 -> (vector<16xf32>, vector<16xi32>, f32) {
          %mul3A_124 = arith.constant 16 : i32
          %mul3A_125 = arith.muli %scan3A_105, %mul3A_124 : i32
          %add3A_126 = vector.broadcast %mul3A_125 : i32 to vector<16xi32>
          %add3A_127 = arith.addi %iota3A, %add3A_126 : vector<16xi32>
          %masked_sort3A = arith.constant dense<true> : vector<16xi1>
          %masked_sort3A_128, %masked_sort3A_129, %masked_sort3A_130 = tpu.sort %get3A_113, %add3A_127 masked %masked_sort3A : (vector<16xf32>, vector<16xi32>, vector<16xi1>) -> (vector<16xi1>, vector<16xf32>, vector<16xi32>)
          %rev3A = arith.constant 15 : i32
          %rev3A_131 = vector.broadcast %rev3A : i32 to vector<16xi32>
          %rev3A_132 = tpu.iota {dimensions = array<i32: 0>} : vector<16xi32>
          %rev3A_133 = arith.subi %rev3A_131, %rev3A_132 : vector<16xi32>
          %rev3A_134 = tpu.dynamic_gather %scan3A_106[%rev3A_133] in [0] : vector<16xf32>, vector<16xi32> -> vector<16xf32>
          %rev3A_135 = arith.constant 15 : i32
          %rev3A_136 = vector.broadcast %rev3A_135 : i32 to vector<16xi32>
          %rev3A_137 = tpu.iota {dimensions = array<i32: 0>} : vector<16xi32>
          %rev3A_138 = arith.subi %rev3A_136, %rev3A_137 : vector<16xi32>
          %rev3A_139 = tpu.dynamic_gather %scan3A_107[%rev3A_138] in [0] : vector<16xi32>, vector<16xi32> -> vector<16xi32>
          %lt3A_140 = arith.cmpf olt, %masked_sort3A_129, %rev3A_134 : vector<16xf32>
          %select_n3A_141 = arith.select %lt3A_140, %masked_sort3A_129, %rev3A_134 : vector<16xi1>, vector<16xf32>
          %select_n3A_142 = arith.select %lt3A_140, %masked_sort3A_130, %rev3A_139 : vector<16xi1>, vector<16xi32>
          %masked_sort3A_143 = arith.constant dense<true> : vector<16xi1>
          %masked_sort3A_144, %masked_sort3A_145, %masked_sort3A_146 = tpu.sort %select_n3A_141, %select_n3A_142 masked %masked_sort3A_143 : (vector<16xf32>, vector<16xi32>, vector<16xi1>) -> (vector<16xi1>, vector<16xf32>, vector<16xi32>)
          %reduce_max3A = arith.constant true
          %reduce_max3A_147 = vector.broadcast %reduce_max3A : i1 to vector<16xi1>
          %reduce_max3A_148 = tpu.scan <max>, %masked_sort3A_145 masked %reduce_max3A_147 : vector<16xf32>, vector<16xi1> -> vector<16xf32>
          %reduce_max3A_149 = vector.extract %reduce_max3A_148[15] : f32 from vector<16xf32>
          scf.yield %masked_sort3A_145, %masked_sort3A_146, %reduce_max3A_149 : vector<16xf32>, vector<16xi32>, f32
        } else {
          scf.yield %scan3A_106, %scan3A_107, %scan3A_108 : vector<16xf32>, vector<16xi32>, f32
        }
        scf.yield %cond3A_123#0, %cond3A_123#1, %cond3A_123#2 : vector<16xf32>, vector<16xi32>, f32
      }
      %scan3A_66 = arith.constant 256 : i32
      %swap3A_67 = arith.constant 4 : i32
      %swap3A_68 = arith.index_cast %swap3A_67 : i32 to index
      %swap3A_69 = arith.constant 0 : index
      %swap3A_70 = tpu.vector_load %arg5[%swap3A_68, %swap3A_69] {strides = array<i32>} : memref<8x16xi32, #tpu.memory_space<vmem>>, vector<16xi32>,
      tpu.vector_store %arg5[%swap3A_68, %swap3A_69], %scan3A_65#1 {strides = array<i32>} : memref<8x16xi32, #tpu.memory_space<vmem>>, vector<16xi32>,
      %scan3A_71 = arith.constant 0x7F800000 : f32
      %scan3A_72 = arith.constant 0 : i32
      %scan3A_73 = arith.constant 256 : i32
      %scan3A_74 = arith.addi %scan3A_72, %scan3A_73 : i32
      %scan3A_75 = arith.constant 1 : i32
      %scan3A_76:3 = scf.for %scan3A_105 = %scan3A_72 to %scan3A_74 step %scan3A_75 iter_args(%scan3A_106 = %broadcast_in_dim3A_3, %scan3A_107 = %broadcast_in_dim3A_5, %scan3A_108 = %scan3A_71) -> (vector<16xf32>, vector<16xi32>, f32)  : i32 {
        %mul3A_109 = arith.constant 16 : i32
        %mul3A_110 = arith.muli %scan3A_105, %mul3A_109 : i32
        %get3A = arith.constant 5 : i32
        %get3A_111 = arith.index_cast %get3A : i32 to index
        %get3A_112 = arith.index_cast %mul3A_110 : i32 to index
        %get3A_113 = tpu.vector_load %arg4[%get3A_111, %get3A_112] {strides = array<i32>} : memref<8x4096xf32, #tpu.memory_space<vmem>>, vector<16xf32>,
        %lt3A = vector.broadcast %scan3A_108 : f32 to vector<16xf32>
        %lt3A_114 = arith.cmpf olt, %get3A_113, %lt3A : vector<16xf32>
        %jit3A = arith.constant 1 : i32
        %jit3A_115 = arith.constant 0 : i32
        %broadcast_in_dim3A_116 = vector.broadcast %jit3A : i32 to vector<16xi32>
        %broadcast_in_dim3A_117 = vector.broadcast %jit3A_115 : i32 to vector<16xi32>
        %select_n3A = arith.select %lt3A_114, %broadcast_in_dim3A_116, %broadcast_in_dim3A_117 : vector<16xi1>, vector<16xi32>
        %reduce_sum3A = arith.constant true
        %reduce_sum3A_118 = vector.broadcast %reduce_sum3A : i1 to vector<16xi1>
        %reduce_sum3A_119 = tpu.scan <sum>, %select_n3A masked %reduce_sum3A_118 : vector<16xi32>, vector<16xi1> -> vector<16xi32>
        %reduce_sum3A_120 = vector.extract %reduce_sum3A_119[15] : i32 from vector<16xi32>
        %gt3A = arith.constant 0 : i32
        %gt3A_121 = arith.cmpi sgt, %reduce_sum3A_120, %gt3A : i32
        %convert_element_type3A = arith.extui %gt3A_121 : i1 to i32
        %cond3A = arith.constant 0 : i32
        %cond3A_122 = arith.cmpi ne, %convert_element_type3A, %cond3A : i32
        %cond3A_123:3 = scf.if %cond3A_122 -> (vector<16xf32>, vector<16xi32>, f32) {
          %mul3A_124 = arith.constant 16 : i32
          %mul3A_125 = arith.muli %scan3A_105, %mul3A_124 : i32
          %add3A_126 = vector.broadcast %mul3A_125 : i32 to vector<16xi32>
          %add3A_127 = arith.addi %iota3A, %add3A_126 : vector<16xi32>
          %masked_sort3A = arith.constant dense<true> : vector<16xi1>
          %masked_sort3A_128, %masked_sort3A_129, %masked_sort3A_130 = tpu.sort %get3A_113, %add3A_127 masked %masked_sort3A : (vector<16xf32>, vector<16xi32>, vector<16xi1>) -> (vector<16xi1>, vector<16xf32>, vector<16xi32>)
          %rev3A = arith.constant 15 : i32
          %rev3A_131 = vector.broadcast %rev3A : i32 to vector<16xi32>
          %rev3A_132 = tpu.iota {dimensions = array<i32: 0>} : vector<16xi32>
          %rev3A_133 = arith.subi %rev3A_131, %rev3A_132 : vector<16xi32>
          %rev3A_134 = tpu.dynamic_gather %scan3A_106[%rev3A_133] in [0] : vector<16xf32>, vector<16xi32> -> vector<16xf32>
          %rev3A_135 = arith.constant 15 : i32
          %rev3A_136 = vector.broadcast %rev3A_135 : i32 to vector<16xi32>
          %rev3A_137 = tpu.iota {dimensions = array<i32: 0>} : vector<16xi32>
          %rev3A_138 = arith.subi %rev3A_136, %rev3A_137 : vector<16xi32>
          %rev3A_139 = tpu.dynamic_gather %scan3A_107[%rev3A_138] in [0] : vector<16xi32>, vector<16xi32> -> vector<16xi32>
          %lt3A_140 = arith.cmpf olt, %masked_sort3A_129, %rev3A_134 : vector<16xf32>
          %select_n3A_141 = arith.select %lt3A_140, %masked_sort3A_129, %rev3A_134 : vector<16xi1>, vector<16xf32>
          %select_n3A_142 = arith.select %lt3A_140, %masked_sort3A_130, %rev3A_139 : vector<16xi1>, vector<16xi32>
          %masked_sort3A_143 = arith.constant dense<true> : vector<16xi1>
          %masked_sort3A_144, %masked_sort3A_145, %masked_sort3A_146 = tpu.sort %select_n3A_141, %select_n3A_142 masked %masked_sort3A_143 : (vector<16xf32>, vector<16xi32>, vector<16xi1>) -> (vector<16xi1>, vector<16xf32>, vector<16xi32>)
          %reduce_max3A = arith.constant true
          %reduce_max3A_147 = vector.broadcast %reduce_max3A : i1 to vector<16xi1>
          %reduce_max3A_148 = tpu.scan <max>, %masked_sort3A_145 masked %reduce_max3A_147 : vector<16xf32>, vector<16xi1> -> vector<16xf32>
          %reduce_max3A_149 = vector.extract %reduce_max3A_148[15] : f32 from vector<16xf32>
          scf.yield %masked_sort3A_145, %masked_sort3A_146, %reduce_max3A_149 : vector<16xf32>, vector<16xi32>, f32
        } else {
          scf.yield %scan3A_106, %scan3A_107, %scan3A_108 : vector<16xf32>, vector<16xi32>, f32
        }
        scf.yield %cond3A_123#0, %cond3A_123#1, %cond3A_123#2 : vector<16xf32>, vector<16xi32>, f32
      }
      %scan3A_77 = arith.constant 256 : i32
      %swap3A_78 = arith.constant 5 : i32
      %swap3A_79 = arith.index_cast %swap3A_78 : i32 to index
      %swap3A_80 = arith.constant 0 : index
      %swap3A_81 = tpu.vector_load %arg5[%swap3A_79, %swap3A_80] {strides = array<i32>} : memref<8x16xi32, #tpu.memory_space<vmem>>, vector<16xi32>,
      tpu.vector_store %arg5[%swap3A_79, %swap3A_80], %scan3A_76#1 {strides = array<i32>} : memref<8x16xi32, #tpu.memory_space<vmem>>, vector<16xi32>,
      %scan3A_82 = arith.constant 0x7F800000 : f32
      %scan3A_83 = arith.constant 0 : i32
      %scan3A_84 = arith.constant 256 : i32
      %scan3A_85 = arith.addi %scan3A_83, %scan3A_84 : i32
      %scan3A_86 = arith.constant 1 : i32
      %scan3A_87:3 = scf.for %scan3A_105 = %scan3A_83 to %scan3A_85 step %scan3A_86 iter_args(%scan3A_106 = %broadcast_in_dim3A_3, %scan3A_107 = %broadcast_in_dim3A_5, %scan3A_108 = %scan3A_82) -> (vector<16xf32>, vector<16xi32>, f32)  : i32 {
        %mul3A_109 = arith.constant 16 : i32
        %mul3A_110 = arith.muli %scan3A_105, %mul3A_109 : i32
        %get3A = arith.constant 6 : i32
        %get3A_111 = arith.index_cast %get3A : i32 to index
        %get3A_112 = arith.index_cast %mul3A_110 : i32 to index
        %get3A_113 = tpu.vector_load %arg4[%get3A_111, %get3A_112] {strides = array<i32>} : memref<8x4096xf32, #tpu.memory_space<vmem>>, vector<16xf32>,
        %lt3A = vector.broadcast %scan3A_108 : f32 to vector<16xf32>
        %lt3A_114 = arith.cmpf olt, %get3A_113, %lt3A : vector<16xf32>
        %jit3A = arith.constant 1 : i32
        %jit3A_115 = arith.constant 0 : i32
        %broadcast_in_dim3A_116 = vector.broadcast %jit3A : i32 to vector<16xi32>
        %broadcast_in_dim3A_117 = vector.broadcast %jit3A_115 : i32 to vector<16xi32>
        %select_n3A = arith.select %lt3A_114, %broadcast_in_dim3A_116, %broadcast_in_dim3A_117 : vector<16xi1>, vector<16xi32>
        %reduce_sum3A = arith.constant true
        %reduce_sum3A_118 = vector.broadcast %reduce_sum3A : i1 to vector<16xi1>
        %reduce_sum3A_119 = tpu.scan <sum>, %select_n3A masked %reduce_sum3A_118 : vector<16xi32>, vector<16xi1> -> vector<16xi32>
        %reduce_sum3A_120 = vector.extract %reduce_sum3A_119[15] : i32 from vector<16xi32>
        %gt3A = arith.constant 0 : i32
        %gt3A_121 = arith.cmpi sgt, %reduce_sum3A_120, %gt3A : i32
        %convert_element_type3A = arith.extui %gt3A_121 : i1 to i32
        %cond3A = arith.constant 0 : i32
        %cond3A_122 = arith.cmpi ne, %convert_element_type3A, %cond3A : i32
        %cond3A_123:3 = scf.if %cond3A_122 -> (vector<16xf32>, vector<16xi32>, f32) {
          %mul3A_124 = arith.constant 16 : i32
          %mul3A_125 = arith.muli %scan3A_105, %mul3A_124 : i32
          %add3A_126 = vector.broadcast %mul3A_125 : i32 to vector<16xi32>
          %add3A_127 = arith.addi %iota3A, %add3A_126 : vector<16xi32>
          %masked_sort3A = arith.constant dense<true> : vector<16xi1>
          %masked_sort3A_128, %masked_sort3A_129, %masked_sort3A_130 = tpu.sort %get3A_113, %add3A_127 masked %masked_sort3A : (vector<16xf32>, vector<16xi32>, vector<16xi1>) -> (vector<16xi1>, vector<16xf32>, vector<16xi32>)
          %rev3A = arith.constant 15 : i32
          %rev3A_131 = vector.broadcast %rev3A : i32 to vector<16xi32>
          %rev3A_132 = tpu.iota {dimensions = array<i32: 0>} : vector<16xi32>
          %rev3A_133 = arith.subi %rev3A_131, %rev3A_132 : vector<16xi32>
          %rev3A_134 = tpu.dynamic_gather %scan3A_106[%rev3A_133] in [0] : vector<16xf32>, vector<16xi32> -> vector<16xf32>
          %rev3A_135 = arith.constant 15 : i32
          %rev3A_136 = vector.broadcast %rev3A_135 : i32 to vector<16xi32>
          %rev3A_137 = tpu.iota {dimensions = array<i32: 0>} : vector<16xi32>
          %rev3A_138 = arith.subi %rev3A_136, %rev3A_137 : vector<16xi32>
          %rev3A_139 = tpu.dynamic_gather %scan3A_107[%rev3A_138] in [0] : vector<16xi32>, vector<16xi32> -> vector<16xi32>
          %lt3A_140 = arith.cmpf olt, %masked_sort3A_129, %rev3A_134 : vector<16xf32>
          %select_n3A_141 = arith.select %lt3A_140, %masked_sort3A_129, %rev3A_134 : vector<16xi1>, vector<16xf32>
          %select_n3A_142 = arith.select %lt3A_140, %masked_sort3A_130, %rev3A_139 : vector<16xi1>, vector<16xi32>
          %masked_sort3A_143 = arith.constant dense<true> : vector<16xi1>
          %masked_sort3A_144, %masked_sort3A_145, %masked_sort3A_146 = tpu.sort %select_n3A_141, %select_n3A_142 masked %masked_sort3A_143 : (vector<16xf32>, vector<16xi32>, vector<16xi1>) -> (vector<16xi1>, vector<16xf32>, vector<16xi32>)
          %reduce_max3A = arith.constant true
          %reduce_max3A_147 = vector.broadcast %reduce_max3A : i1 to vector<16xi1>
          %reduce_max3A_148 = tpu.scan <max>, %masked_sort3A_145 masked %reduce_max3A_147 : vector<16xf32>, vector<16xi1> -> vector<16xf32>
          %reduce_max3A_149 = vector.extract %reduce_max3A_148[15] : f32 from vector<16xf32>
          scf.yield %masked_sort3A_145, %masked_sort3A_146, %reduce_max3A_149 : vector<16xf32>, vector<16xi32>, f32
        } else {
          scf.yield %scan3A_106, %scan3A_107, %scan3A_108 : vector<16xf32>, vector<16xi32>, f32
        }
        scf.yield %cond3A_123#0, %cond3A_123#1, %cond3A_123#2 : vector<16xf32>, vector<16xi32>, f32
      }
      %scan3A_88 = arith.constant 256 : i32
      %swap3A_89 = arith.constant 6 : i32
      %swap3A_90 = arith.index_cast %swap3A_89 : i32 to index
      %swap3A_91 = arith.constant 0 : index
      %swap3A_92 = tpu.vector_load %arg5[%swap3A_90, %swap3A_91] {strides = array<i32>} : memref<8x16xi32, #tpu.memory_space<vmem>>, vector<16xi32>,
      tpu.vector_store %arg5[%swap3A_90, %swap3A_91], %scan3A_87#1 {strides = array<i32>} : memref<8x16xi32, #tpu.memory_space<vmem>>, vector<16xi32>,
      %scan3A_93 = arith.constant 0x7F800000 : f32
      %scan3A_94 = arith.constant 0 : i32
      %scan3A_95 = arith.constant 256 : i32
      %scan3A_96 = arith.addi %scan3A_94, %scan3A_95 : i32
      %scan3A_97 = arith.constant 1 : i32
      %scan3A_98:3 = scf.for %scan3A_105 = %scan3A_94 to %scan3A_96 step %scan3A_97 iter_args(%scan3A_106 = %broadcast_in_dim3A_3, %scan3A_107 = %broadcast_in_dim3A_5, %scan3A_108 = %scan3A_93) -> (vector<16xf32>, vector<16xi32>, f32)  : i32 {
        %mul3A_109 = arith.constant 16 : i32
        %mul3A_110 = arith.muli %scan3A_105, %mul3A_109 : i32
        %get3A = arith.constant 7 : i32
        %get3A_111 = arith.index_cast %get3A : i32 to index
        %get3A_112 = arith.index_cast %mul3A_110 : i32 to index
        %get3A_113 = tpu.vector_load %arg4[%get3A_111, %get3A_112] {strides = array<i32>} : memref<8x4096xf32, #tpu.memory_space<vmem>>, vector<16xf32>,
        %lt3A = vector.broadcast %scan3A_108 : f32 to vector<16xf32>
        %lt3A_114 = arith.cmpf olt, %get3A_113, %lt3A : vector<16xf32>
        %jit3A = arith.constant 1 : i32
        %jit3A_115 = arith.constant 0 : i32
        %broadcast_in_dim3A_116 = vector.broadcast %jit3A : i32 to vector<16xi32>
        %broadcast_in_dim3A_117 = vector.broadcast %jit3A_115 : i32 to vector<16xi32>
        %select_n3A = arith.select %lt3A_114, %broadcast_in_dim3A_116, %broadcast_in_dim3A_117 : vector<16xi1>, vector<16xi32>
        %reduce_sum3A = arith.constant true
        %reduce_sum3A_118 = vector.broadcast %reduce_sum3A : i1 to vector<16xi1>
        %reduce_sum3A_119 = tpu.scan <sum>, %select_n3A masked %reduce_sum3A_118 : vector<16xi32>, vector<16xi1> -> vector<16xi32>
        %reduce_sum3A_120 = vector.extract %reduce_sum3A_119[15] : i32 from vector<16xi32>
        %gt3A = arith.constant 0 : i32
        %gt3A_121 = arith.cmpi sgt, %reduce_sum3A_120, %gt3A : i32
        %convert_element_type3A = arith.extui %gt3A_121 : i1 to i32
        %cond3A = arith.constant 0 : i32
        %cond3A_122 = arith.cmpi ne, %convert_element_type3A, %cond3A : i32
        %cond3A_123:3 = scf.if %cond3A_122 -> (vector<16xf32>, vector<16xi32>, f32) {
          %mul3A_124 = arith.constant 16 : i32
          %mul3A_125 = arith.muli %scan3A_105, %mul3A_124 : i32
          %add3A_126 = vector.broadcast %mul3A_125 : i32 to vector<16xi32>
          %add3A_127 = arith.addi %iota3A, %add3A_126 : vector<16xi32>
          %masked_sort3A = arith.constant dense<true> : vector<16xi1>
          %masked_sort3A_128, %masked_sort3A_129, %masked_sort3A_130 = tpu.sort %get3A_113, %add3A_127 masked %masked_sort3A : (vector<16xf32>, vector<16xi32>, vector<16xi1>) -> (vector<16xi1>, vector<16xf32>, vector<16xi32>)
          %rev3A = arith.constant 15 : i32
          %rev3A_131 = vector.broadcast %rev3A : i32 to vector<16xi32>
          %rev3A_132 = tpu.iota {dimensions = array<i32: 0>} : vector<16xi32>
          %rev3A_133 = arith.subi %rev3A_131, %rev3A_132 : vector<16xi32>
          %rev3A_134 = tpu.dynamic_gather %scan3A_106[%rev3A_133] in [0] : vector<16xf32>, vector<16xi32> -> vector<16xf32>
          %rev3A_135 = arith.constant 15 : i32
          %rev3A_136 = vector.broadcast %rev3A_135 : i32 to vector<16xi32>
          %rev3A_137 = tpu.iota {dimensions = array<i32: 0>} : vector<16xi32>
          %rev3A_138 = arith.subi %rev3A_136, %rev3A_137 : vector<16xi32>
          %rev3A_139 = tpu.dynamic_gather %scan3A_107[%rev3A_138] in [0] : vector<16xi32>, vector<16xi32> -> vector<16xi32>
          %lt3A_140 = arith.cmpf olt, %masked_sort3A_129, %rev3A_134 : vector<16xf32>
          %select_n3A_141 = arith.select %lt3A_140, %masked_sort3A_129, %rev3A_134 : vector<16xi1>, vector<16xf32>
          %select_n3A_142 = arith.select %lt3A_140, %masked_sort3A_130, %rev3A_139 : vector<16xi1>, vector<16xi32>
          %masked_sort3A_143 = arith.constant dense<true> : vector<16xi1>
          %masked_sort3A_144, %masked_sort3A_145, %masked_sort3A_146 = tpu.sort %select_n3A_141, %select_n3A_142 masked %masked_sort3A_143 : (vector<16xf32>, vector<16xi32>, vector<16xi1>) -> (vector<16xi1>, vector<16xf32>, vector<16xi32>)
          %reduce_max3A = arith.constant true
          %reduce_max3A_147 = vector.broadcast %reduce_max3A : i1 to vector<16xi1>
          %reduce_max3A_148 = tpu.scan <max>, %masked_sort3A_145 masked %reduce_max3A_147 : vector<16xf32>, vector<16xi1> -> vector<16xf32>
          %reduce_max3A_149 = vector.extract %reduce_max3A_148[15] : f32 from vector<16xf32>
          scf.yield %masked_sort3A_145, %masked_sort3A_146, %reduce_max3A_149 : vector<16xf32>, vector<16xi32>, f32
        } else {
          scf.yield %scan3A_106, %scan3A_107, %scan3A_108 : vector<16xf32>, vector<16xi32>, f32
        }
        scf.yield %cond3A_123#0, %cond3A_123#1, %cond3A_123#2 : vector<16xf32>, vector<16xi32>, f32
      }
      %scan3A_99 = arith.constant 256 : i32
      %swap3A_100 = arith.constant 7 : i32
      %swap3A_101 = arith.index_cast %swap3A_100 : i32 to index
      %swap3A_102 = arith.constant 0 : index
      %swap3A_103 = tpu.vector_load %arg5[%swap3A_101, %swap3A_102] {strides = array<i32>} : memref<8x16xi32, #tpu.memory_space<vmem>>, vector<16xi32>,
      tpu.vector_store %arg5[%swap3A_101, %swap3A_102], %scan3A_98#1 {strides = array<i32>} : memref<8x16xi32, #tpu.memory_space<vmem>>, vector<16xi32>,
      "tpu.region"() ({
        %run_scoped3A = tpu.sem_alloc : memref<!tpu.dma_semaphore, #tpu.memory_space<semaphore_mem>>
        %dma_start3A = arith.constant 0 : i32
        %dma_start3A_105 = tpu.memref_slice %arg3[%add3A_16, %dma_start3A] : memref<16384x16xi32, #tpu.memory_space<hbm>> -> memref<8x16xi32, #tpu.memory_space<hbm>>
        %dma_start3A_106 = arith.constant 0 : i32
        %dma_start3A_107 = tpu.memref_slice %arg3[%add3A_16, %dma_start3A_106] : memref<16384x16xi32, #tpu.memory_space<hbm>> -> memref<8x16xi32, #tpu.memory_space<hbm>>
        tpu.enqueue_dma source(%arg5 : memref<8x16xi32, #tpu.memory_space<vmem>>) target(%dma_start3A_107 : memref<8x16xi32, #tpu.memory_space<hbm>>) target_semaphore(%run_scoped3A : memref<!tpu.dma_semaphore, #tpu.memory_space<semaphore_mem>>)
        %dma_wait3A = arith.constant 0 : i32
        %dma_wait3A_108 = tpu.memref_slice %arg3[%add3A_16, %dma_wait3A] : memref<16384x16xi32, #tpu.memory_space<hbm>> -> memref<8x16xi32, #tpu.memory_space<hbm>>
        %dma_wait3A_109 = arith.constant 0 : i32
        %dma_wait3A_110 = tpu.memref_slice %arg3[%add3A_16, %dma_wait3A_109] : memref<16384x16xi32, #tpu.memory_space<hbm>> -> memref<8x16xi32, #tpu.memory_space<hbm>>
        tpu.wait_dma2 semaphore(%run_scoped3A : memref<!tpu.dma_semaphore, #tpu.memory_space<semaphore_mem>>) src(%arg5 : memref<8x16xi32, #tpu.memory_space<vmem>>) dst(%dma_wait3A_110 : memref<8x16xi32, #tpu.memory_space<hbm>>)
        tpu.yield
      }) : () -> ()
      %scan3A_104 = arith.constant 0 : i32
      scf.yield %scan3A_104 : i32
    }
    %scan3A_11 = arith.constant 64 : i32
    return
  }
}

module attributes {stable_mosaic.version = 14 : i64} {
  func.func @_dist_tile(%arg0: i32, %arg1: i32, %arg2: memref<1x256x4096xf32, #tpu.memory_space<vmem>>, %arg3: memref<1x256x256xf32, #tpu.memory_space<vmem>>, %arg4: memref<1x256x4096xf32, #tpu.memory_space<vmem>>) attributes {dimension_semantics = [#tpu.dimension_semantics<arbitrary>, #tpu.dimension_semantics<arbitrary>], iteration_bounds = array<i64: 4, 16>, scalar_prefetch = 0 : i64, scratch_operands = 0 : i64, tpu.core_type = #tpu.core_type<tc>, window_params = [{transform_indices = @transform_0, window_bounds = array<i64: 1, 256, 4096>}, {transform_indices = @transform_1, window_bounds = array<i64: 1, 256, 256>}, {transform_indices = @transform_2, window_bounds = array<i64: 1, 256, 4096>}]} {
    %get3A = arith.constant 0 : index
    %get3A_0 = arith.constant 0 : index
    %get3A_1 = arith.constant 0 : index
    %get3A_2 = vector.load %arg2[%get3A, %get3A_0, %get3A_1] : memref<1x256x4096xf32, #tpu.memory_space<vmem>>, vector<1x256x4096xf32>
    %get3A_3 = vector.shape_cast %get3A_2 : vector<1x256x4096xf32> to vector<256x4096xf32>
    %get3A_4 = arith.constant 0 : index
    %get3A_5 = arith.constant 0 : index
    %get3A_6 = arith.constant 0 : index
    %get3A_7 = vector.load %arg3[%get3A_4, %get3A_5, %get3A_6] : memref<1x256x256xf32, #tpu.memory_space<vmem>>, vector<1x256x256xf32>
    %get3A_8 = vector.shape_cast %get3A_7 : vector<1x256x256xf32> to vector<256x256xf32>
    %mul3A = arith.mulf %get3A_3, %get3A_3 : vector<256x4096xf32>
    %reduce_sum3A = arith.constant dense<0.000000e+00> : vector<4096xf32>
    %reduce_sum3A_9 = vector.multi_reduction <add>, %mul3A, %reduce_sum3A [0] : vector<256x4096xf32> to vector<4096xf32>
    %mul3A_10 = arith.mulf %get3A_8, %get3A_8 : vector<256x256xf32>
    %reduce_sum3A_11 = arith.constant dense<0.000000e+00> : vector<256xf32>
    %reduce_sum3A_12 = vector.multi_reduction <add>, %mul3A_10, %reduce_sum3A_11 [0] : vector<256x256xf32> to vector<256xf32>
    %dot_general3A = arith.constant dense<0.000000e+00> : vector<256x4096xf32>
    %dot_general3A_13 = tpu.matmul %get3A_8, %get3A_3, %dot_general3A {dimension_numbers = #tpu.dot_dimension_numbers<[0], [0], [1], [1], [0, 1, 1, 1], [], []>, transpose_lhs_hint = false} : vector<256x256xf32>, vector<256x4096xf32>, vector<256x4096xf32> -> vector<256x4096xf32>
    %broadcast_in_dim3A = vector.shape_cast %reduce_sum3A_9 : vector<4096xf32> to vector<1x4096xf32>
    %broadcast_in_dim3A_14 = vector.shape_cast %reduce_sum3A_12 : vector<256xf32> to vector<256x1xf32>
    %add3A = vector.broadcast %broadcast_in_dim3A : vector<1x4096xf32> to vector<256x4096xf32>
    %add3A_15 = vector.broadcast %broadcast_in_dim3A_14 : vector<256x1xf32> to vector<256x4096xf32>
    %add3A_16 = arith.addf %add3A, %add3A_15 : vector<256x4096xf32>
    %mul3A_17 = arith.constant 2.000000e+00 : f32
    %mul3A_18 = vector.broadcast %mul3A_17 : f32 to vector<256x4096xf32>
    %mul3A_19 = arith.mulf %mul3A_18, %dot_general3A_13 : vector<256x4096xf32>
    %sub3A = arith.subf %add3A_16, %mul3A_19 : vector<256x4096xf32>
    %swap3A = arith.constant 0 : index
    %swap3A_20 = arith.constant 0 : index
    %swap3A_21 = arith.constant 0 : index
    %swap3A_22 = vector.load %arg4[%swap3A, %swap3A_20, %swap3A_21] : memref<1x256x4096xf32, #tpu.memory_space<vmem>>, vector<1x256x4096xf32>
    %swap3A_23 = vector.shape_cast %swap3A_22 : vector<1x256x4096xf32> to vector<256x4096xf32>
    %swap3A_24 = vector.shape_cast %sub3A : vector<256x4096xf32> to vector<1x256x4096xf32>
    tpu.vector_store %arg4[%swap3A, %swap3A_20, %swap3A_21], %swap3A_24 {strides = array<i32>} : memref<1x256x4096xf32, #tpu.memory_space<vmem>>, vector<1x256x4096xf32>,
    return
  }
  func.func @transform_0(%arg0: i32, %arg1: i32) -> (i32, i32, i32) {
    %c0_i32 = arith.constant 0 : i32
    %c0_i32_0 = arith.constant 0 : i32
    %c0_i32_1 = arith.constant 0 : i32
    return %arg0, %c0_i32, %c0_i32_0 : i32, i32, i32
  }
  func.func @transform_1(%arg0: i32, %arg1: i32) -> (i32, i32, i32) {
    %c0_i32 = arith.constant 0 : i32
    %c0_i32_0 = arith.constant 0 : i32
    return %arg0, %c0_i32, %arg1 : i32, i32, i32
  }
  func.func @transform_2(%arg0: i32, %arg1: i32) -> (i32, i32, i32) {
    %c0_i32 = arith.constant 0 : i32
    %c0_i32_0 = arith.constant 0 : i32
    return %arg0, %arg1, %c0_i32 : i32, i32, i32
  }
}

</mosaic_0001>

<sc_bundles>
// kernel: kernel.4.cloned.1.call-start
scs
__scs_entry_jumppad:
0x0: {  	(pc) =	sbr.rel $0x88, $3  }
0x1: {  	(tag) =	ssettag $0x0;
	lr =	simm.s32 $0x1  }
0x2: {  	[smem:$0x3F9F] =	sst lr;
	_ =	strace $0xD0000000  }
0x3: {  	_ = 	snop  }
0x4: {  	_ = 	snop  }
0x5: {  	_ = 	snop  }
0x6: {  	_ = 	snop  }
0x7: {  	_ = 	snop  }
__scs_overlays_trampoline_lowered:
0x8: {  	[smem:$0x3FAE] =	sst s0  }
0x9: {  	[smem:$0x3FAF] =	sst s1  }
0xa: {  	[smem:$0x3FB0] =	sst s2  }
0xb: {  	[smem:$0x3FB1] =	sst s3  }
0xc: {  	[smem:$0x3FB2] =	sst s4  }
0xd: {  	[smem:$0x3FB3] =	sst s5  }
0xe: {  	[smem:$0x3FB4] =	sst s6  }
0xf: {  	[smem:$0x3FB5] =	sst s7  }
0x10: {  	[smem:$0x3FB6] =	sst s8  }
0x11: {  	[smem:$0x3FB7] =	sst s9;
	s0 =	simm.s32 @!p0 $0x0  }
0x12: {  	s1 =	sld [smem:$0x3F9D];
	s0 =	simm.s32 @p0 $0x1  }
0x13: {  	[smem:$0x3FB8] =	sst s0;
	s0 =	simm.s32 @!p1 $0x0  }
0x14: {  	s2 =	sld [smem:$0x3F9C];
	s0 =	simm.s32 @p1 $0x1  }
0x15: {  	[smem:$0x3FB9] =	sst s0;
	s0 =	simm.s32 @!p2 $0x0  }
0x16: {  	s3 =	sld [smem:$0x3FDB];
	s0 =	simm.s32 @p2 $0x1  }
0x17: {  	s4 =	simm.s32 $0x1BF5;
	[smem:$0x3FBB] =	sst s0  }
0x18: {  	s0 =	sld [smem:$0x3F9E];
	_ =	swait.ge [sflag:s4], $0x0  }
0x19: {  	s7 =	sld [smem:$0x3F9F]  }
0x1a: {  	s8 =	sadd.s32 $0xFFFFE003, lr  }
0x1b: {  	s9 =	sadd.s32 $0xFFFFFEF7, lr;
	s5 =	simm.s32 $0xFFFFFFFF;
	p2 =	slt.u32 s8, $0xFFFFF086  }
0x1c: {  	p1 =	slt.u32 s9, $0xF7A;
	s5 =	simm.s32 @!p2 $0x0  }
0x1d: {  	s5 =	simm.s32 @p1 $0x1;
	p0 =	seq.s32 s7, s2  }
0x1e: {  	s7 =	smul.u32 @!p0 $0xF7A, s2;
	p2 =	seq.s32 @!p0 s5, $0x0  }
0x1f: {  	s9 =	smul.u32 $0xF7A, s1;
	s8 =	simm.s32 @!p0 $0x1BF5;
	p2 =	por !p2, p0  }
0x20: {  	[sflag:s8] =	ssyncset.s32 @!p0 $0xFFFFF086;
	s6 =	sadd.s32 @!p0 s3, s7;
	s7 =	simm.s32 @!p0 $0x108  }
0x21: {  	s3 =	sadd.s32 s3, s9;
	s6 =	sadd.s32 @!p0 $0x88, s6;
	s7 =	simm.s32 @p2 $0x1082  }
0x22: {  	[simem:s7], [sflag:s8] =	dma.local @!p0 [hbm:s6], $0xF7A  }
0x23: {  	s9 =	sor.u32 $0xD0000000, s2;
	s6 =	simm.s32 $0x108;
	_ =	swait.ge @!p0 [sflag:s8], $0x0  }
0x24: {  	s3 =	sadd.s32 $0x88, s3;
	s6 =	simm.s32 @!p1 $0x1082;
	[sflag:s4] =	ssyncset.s32 $0xFFFFF086  }
0x25: {  	[simem:s6], [sflag:s4] =	dma.local [hbm:s3], $0xF7A  }
0x26: {  	[smem:$0x3F9F] =	sst s1;
	(tag) =	ssettag s2;
	_ =	strace s9  }
0x27: {  	s1 =	sld [smem:$0x3FAF]  }
0x28: {  	s2 =	sld [smem:$0x3FB0]  }
0x29: {  	s4 =	sld [smem:$0x3FB2]  }
0x2a: {  	p0 =	seq.s32 s5, $0x0;
	s5 =	sld [smem:$0x3FB3]  }
0x2b: {  	s6 =	sld [smem:$0x3FB4]  }
0x2c: {  	s7 =	sld [smem:$0x3FB5]  }
0x2d: {  	s3 =	simm.s32 $0x108;
	s8 =	sld [smem:$0x3FB6]  }
0x2e: {  	s3 =	simm.s32 @!p0 $0x1082;
	s9 =	sld [smem:$0x3FB7]  }
0x2f: {  	lr =	sadd.s32 s0, s3;
	s0 =	sld [smem:$0x3FAE]  }
0x30: {  	s3 =	sld [smem:$0x3FB1]  }
0x31: {  	[smem:$0x3FBA] =	sst s10  }
0x32: {  	s10 =	sld [smem:$0x3FB8];
	_ =	sdelay $0x3  }
0x33: {  	p0 =	seq.s32 s10, $0x1;
	s10 =	sld [smem:$0x3FBA];
	_ =	sdelay $0x3  }
0x34: {  	[smem:$0x3FBA] =	sst s10  }
0x35: {  	s10 =	sld [smem:$0x3FB9];
	_ =	sdelay $0x3  }
0x36: {  	p1 =	seq.s32 s10, $0x1;
	s10 =	sld [smem:$0x3FBA];
	_ =	sdelay $0x3  }
0x37: {  	[smem:$0x3FBA] =	sst s10  }
0x38: {  	s10 =	sld [smem:$0x3FBB]  }
0x39: {  	_ = 	snop;
	(pc) =	sbr.ind lr, $3  }
0x3a: {  	_ = 	snop  }
0x3b: {  	_ = 	snop  }
0x3c: {  	p2 =	seq.s32 s10, $0x1;
	s10 =	sld [smem:$0x3FBA]  }
0x3d: {  	_ =	shalt  }
0x3e: {  	_ =	shalt  }
0x3f: {  	_ =	shalt  }
0x40: {  	_ =	shalt  }
0x41: {  	_ =	shalt  }
0x42: {  	_ =	shalt  }
0x43: {  	_ =	shalt  }
0x44: {  	_ =	shalt  }
0x45: {  	_ =	shalt  }
0x46: {  	_ =	shalt  }
0x47: {  	_ =	shalt  }
0x48: {  	_ =	shalt  }
0x49: {  	_ =	shalt  }
0x4a: {  	_ =	shalt  }
0x4b: {  	_ =	shalt  }
0x4c: {  	_ =	shalt  }
0x4d: {  	_ =	shalt  }
0x4e: {  	_ =	shalt  }
0x4f: {  	_ =	shalt  }
0x50: {  	_ =	shalt  }
0x51: {  	_ =	shalt  }
0x52: {  	_ =	shalt  }
0x53: {  	_ =	shalt  }
0x54: {  	_ =	shalt  }
0x55: {  	_ =	shalt  }
0x56: {  	_ =	shalt  }
0x57: {  	_ =	shalt  }
0x58: {  	_ =	shalt  }
0x59: {  	_ =	shalt  }
0x5a: {  	_ =	shalt  }
0x5b: {  	_ =	shalt  }
0x5c: {  	_ =	shalt  }
0x5d: {  	_ =	shalt  }
0x5e: {  	_ =	shalt  }
0x5f: {  	_ =	shalt  }
0x60: {  	_ =	shalt  }
0x61: {  	_ =	shalt  }
0x62: {  	_ =	shalt  }
0x63: {  	_ =	shalt  }
0x64: {  	_ =	shalt  }
0x65: {  	_ =	shalt  }
0x66: {  	_ =	shalt  }
0x67: {  	_ =	shalt  }
0x68: {  	_ =	shalt  }
0x69: {  	_ =	shalt  }
0x6a: {  	_ =	shalt  }
0x6b: {  	_ =	shalt  }
0x6c: {  	_ =	shalt  }
0x6d: {  	_ =	shalt  }
0x6e: {  	_ =	shalt  }
0x6f: {  	_ =	shalt  }
0x70: {  	_ =	shalt  }
0x71: {  	_ =	shalt  }
0x72: {  	_ =	shalt  }
0x73: {  	_ =	shalt  }
0x74: {  	_ =	shalt  }
0x75: {  	_ =	shalt  }
0x76: {  	_ =	shalt  }
0x77: {  	_ =	shalt  }
0x78: {  	_ =	shalt  }
0x79: {  	_ =	shalt  }
0x7a: {  	_ =	shalt  }
0x7b: {  	_ =	shalt  }
0x7c: {  	_ =	shalt  }
0x7d: {  	_ =	shalt  }
0x7e: {  	_ =	shalt  }
0x7f: {  	_ =	shalt  }
0x80: {  	_ =	shalt  }
0x81: {  	_ =	shalt  }
0x82: {  	_ =	shalt  }
0x83: {  	_ =	shalt  }
0x84: {  	_ =	shalt  }
0x85: {  	_ =	shalt  }
0x86: {  	_ =	shalt  }
0x87: {  	_ =	shalt  }
.Lfunc_end0:
.L_simem_size_0:
called_computation_lowered:
.L_overlay_start_0:
0x88: {  	s2 =	sld [smem:$0x3FD9]  }
0x89: {  	s3 =	sld [smem:$0x3FFE];
	_ =	sdelay $0x1  }
0x8a: {  	s1 =	srdreg.scid  }
0x8b: {  	s0 =	sand.u32 $0x1, s1  }
0x8c: {  	s16 =	sshll.u32 s0, $0xA;
	s2 =	sadd.s32 s3, s2  }
0x8d: {  	s2 =	sadd.s32 s2, s16  }
0x8e: {  	[smem:$0x3FC6] =	sst s2  }
0x8f: {  	_ = 	snop  }
0x90: {  	(tm) =	ssettm $0x1  }
0x91: {  	s17 =	sld [smem:$0x3FFB];
	_ =	sdelay $0x3  }
0x92: {  	_ =	strace s17  }
0x93: {  	s2 =	sld [smem:$0x3FFC];
	_ =	sdelay $0x3  }
0x94: {  	_ =	strace s2  }
0x95: {  	s2 =	sld [smem:$0x3FFD];
	_ =	sdelay $0x3  }
0x96: {  	_ =	strace s2  }
0x97: {  	_ =	strace $0x8FFFFFFF  }
0x98: {  	s18 =	sld [smem:$0x3FDB];
	_ =	sdelay $0x1  }
0x99: {  	s19 =	simm.s32 $_scs_section_size  }
0x9a: {  	s4 =	simm.s32 $_size__tile_overlayer_lowered;
	s5 =	simm.s32 $_tile_overlayer_lowered  }
0x9b: {  	s22 =	simm.s32 $0x1BFF;
	s21 =	sshll.u32 s5, $0x1;
	s2 =	sadd.s32 s19, s18  }
0x9c: {  	s6 =	simm.s32 $0x0;
	s20 =	sshll.u32 s4, $0x1;
	s4 =	sadd.s32 s21, s2  }
0x9d: {  	[timem:s6], [sflag:s22] =	dma.local [hbm:s4], s20  }
0x9e: {  	_ =	swait.ge [sflag:s22], s20  }
0x9f: {  	s3 =	ssub.s32 $0x0, s20;
	[sflag:s22] =	ssyncset.done $0x0  }
0xa0: {  	[sflag:s22] =	ssyncadd.s32 s3;
	_ =	sdelay $0x1  }
0xa1: {  	s23 =	simm.s32 $0x1B8B  }
0xa2: {  	_ =	swait.ge [sflag:s23], $0x1  }
0xa3: {  	[sflag:s23] =	ssyncset.done $0x0  }
0xa4: {  	s25 =	simm.s32 $0x1B8E;
	s24 =	sld [smem:$0x3FFE];
	[sflag:s23] =	ssyncadd.s32 $0xFFFFFFFF  }
0xa5: {  	s26 =	simm.s32 $execute0_lowered;
	[smem:$0x3FD2] =	sst s25  }
0xa6: {  	s4 =	sshll.u32 s26, $0x1;
	_ =	strace $0x80000046;
	[dreg:$0x1] =	wrdreg $0xFFFFFFFF  }
0xa7: {  	s28 =	simm.s32 $_size_execute0_lowered;
	s2 =	sadd.s32 s2, s4;
	[dreg:$0x0] =	wrdreg $0x0  }
0xa8: {  	s4 =	sshll.u32 s28, $0x1;
	[dreg:$0x2] =	wrdreg s2  }
0xa9: {  	[dreg:$0x3] =	wrdreg s4  }
0xaa: {  	[dreg:$0x4] =	wrdreg $0xC0  }
0xab: {  	_ =	task [dreg:s6], $0x5FFFF  }
0xac: {  	[dreg:$0x1] =	wrdreg $0xFFFFFFFF  }
0xad: {  	[dreg:$0x0] =	wrdreg $0x60  }
0xae: {  	[dreg:$0x2] =	wrdreg s24  }
0xaf: {  	[dreg:$0x3] =	wrdreg $0x9  }
0xb0: {  	_ =	task.clear_ibuf [dreg:s6], $0x4FFFF;
	_ =	strace $0x90000046  }
0xb1: {  	s29 =	simm.s32 $0x9;
	_ =	strace $0x80000048  }
0xb2: {  	_ =	swait.ge [sflag:s29], $0x1  }
0xb3: {  	[sflag:s29] =	ssyncadd.s32 $0xFFFFFFFF  }
0xb4: {  	_ =	strace $0x90000048  }
0xb5: {  	_ =	sfence  }
0xb6: {  	s30 =	sld [smem:$0x0];
	_ =	sdelay $0x2  }
0xb7: {  	s31 =	sshll.u32 s1, $0xD;
	s1 =	sshrl.u32 s1, $0x2  }
0xb8: {  	s3 =	sand.u32 $0x4000, s31;
	s1 =	sadd.s32 s1, s30  }
0xb9: {  	s0 =	sor.u32 s3, s0;
	s1 =	sshll.u32 s1, $0x11  }
0xba: {  	s0 =	sor.u32 s1, s0  }
0xbb: {  	s0 =	sadd.s32 $0x8F2B, s0  }
0xbc: {  	[sflag:s0] =	ssyncadd.remote.s32 $0x1  }
0xbd: {  	_ =	sfence.sel $0xFFFF  }
0xbe: {  	[dreg:$0x0] =	wrdreg $0xFFFFFFFF;
	(pc) =	sbr.abs _section_cstart, $3  }
0xbf: {  	[dreg:$0x1] =	wrdreg $0xFFFFFFFF  }
0xc0: {  	_ =	task.clear_ibuf [dreg:s6], $0x2FFFF;
	_ =	strace $0x9FFFFFFF  }
0xc1: {  	(tm) =	ssettm $0x7FFFFFFF  }
tec
execute0_lowered:
.L_overlay_start_1:
0x0: {  	(tag) =	ssettag $0x1  }
0x1: {  	s4 =	rddreg [dreg:$0x0]  }
0x2: {  	s0 =	rddreg [dreg:$0x1]  }
0x3: {  	s1 =	simm.s32 $0x0;
	s2 =	srdreg.scid;
	s8 =	simm.s32 $0x8000  }
0x4: {  	s9 =	simm.s32 $0x0;
	[smem:$0x7FF] =	sst s1;
	s5 =	sand.u32 $0x1, s2  }
0x5: {  	s3 =	sadd.s32 $0x600, s4;
	s2 =	stileid.u32;
	s6 =	ssub.s32 $0x2, s5  }
0x6: {  	s4 =	sadd.s32 $0x800600, s4;
	_ =	strace $0x80000047;
	s7 =	sshrl.u32 s6, $0x1  }
0x7: {  	s31 =	sshll.u32 s2, $0x7;
	s5 =	sshll.u32 s5, $0x6;
	s6 =	ssub.s32 s6, s7  }
0x8: {  	v0 =	vimm.s32 $0x0;
	s5 =	sor.u32 s5, s31;
	s7 =	simm.s32 $0x1;
	s6 =	smax.u32 s6, $0x1  }
.LBB2_1:
0x9: {  	s10 =	simm.s32 $0x0  }
.LBB2_2:
0xa: {  	s11 =	sadd.s32 s5, s10  }
0xb: {  	s12 =	sshll.u32 s11, $0xC  }
0xc: {  	s13 =	simm.s32 $0x0;
	s12 =	sadd.s32 s3, s12  }
0xd: {  	[tilespmem:s13], [sflag:$0x1] =	stream.linear.gather [hbm4b:s12+s13], $0x8000, $0x38;
	[tilespmem:$0x8400] =	vst v63  }
0xe: {  	_ =	swait.ge [sflag:s7], $0x8000  }
0xf: {  	s30 =	sand.u32 $0x70, s13;
	s14 =	sand.u32 $0x7C00, s13;
	[sflag:s7] =	ssyncset.done $0x0  }
0x10: {  	s12 =	sor.u32 s30, s14;
	[sflag:s7] =	ssyncadd.s32 $0xFFFF8000  }
0x11: {  	v1 =	vld [tilespmem:s12+$0x0];
	_ =	sdelay $0x3  }
0x12: {  	s12 =	simm.f32 $+Inf  }
0x13: {  	vm0 =	vlt.f32 v1, s12  }
0x14: {  	v2 =	vsel vm0, $0x1, v0  }
0x15: {  	(xrf0) =	vadd.scan.msk.s32 $0xffff, v2;
	_ =	sdelay $0x5  }
0x16: {  	v2, _, _ =	vpop (xrf0)  }
0x17: {  	(v2sf) =	vpush v2, $0xF;
	_ =	sdelay $0xe  }
0x18: {  	s31 =	spop (v2sf)  }
0x19: {  	p0 =	slt.s32 s31, $0x1  }
0x1a: {  	v2 =	vlaneseq.u32 @!p0  }
0x1b: {  	v3 =	vor.u32 @!p0 s13, v2  }
0x1c: {  	(xrf1) =	vsort.ascd.msk.f32 @!p0 $0xffff, v1, v3;
	_ =	sdelay $0x9  }
0x1d: {  	v1 =	vmul.u32 @!p0 $0xFFFFFFFF, v2;
	_ =	sdelay $0x1  }
0x1e: {  	v2 =	vimm.f32 $+Inf;
	v1 =	vadd.s32 @!p0 $0xF, v1  }
0x1f: {  	v3 =	vimm.s32 $0x0;
	v4 =	vperm.xlane @!p0 v2, v1  }
0x20: {  	v1 =	vperm.xlane @!p0 v3, v1;
	v5, v6, _ =	vpop @!p0 (xrf1)  }
0x21: {  	vm0 =	vlt.f32 @!p0 v5, v4  }
0x22: {  	v4 =	vsel @!p0 vm0, v5, v4;
	v1 =	vsel @!p0 vm0, v6, v1  }
0x23: {  	(xrf1) =	vsort.ascd.msk.f32 @!p0 $0xffff, v4, v1;
	_ =	sdelay $0xd  }
0x24: {  	v1, v4, _ =	vpop @!p0 (xrf1)  }
0x25: {  	(xrf0) =	vmax.scan.msk.f32 @!p0 $0xffff, v1;
	_ =	sdelay $0x5  }
0x26: {  	v5, _, _ =	vpop @!p0 (xrf0)  }
0x27: {  	(v2sf) =	vpush @!p0 v5, $0xF;
	_ =	sdelay $0x7  }
0x28: {  	s14 =	simm.s32 $0x80;
	s13 =	simm.s32 $0x10;
	v2 =	vpsel p0, v2, v1;
	v1 =	vpsel p0, v3, v4  }
.LBB2_3:
0x29: {  	s15 =	smov.u32 s12;
	s12 =	sand.u32 $0x70, s13  }
0x2a: {  	s16 =	sand.u32 $0x7C00, s14;
	s17 =	smov.u32 s13;
	s13 =	sadd.s32 $0x10, s13  }
0x2b: {  	s12 =	sor.u32 s12, s16;
	p1 =	sne.s32 s13, $0x1000  }
0x2c: {  	v3 =	vld [tilespmem:s12+$0x0];
	_ =	sdelay $0x2  }
0x2d: {  	s12 =	spop @!p0 (v2sf)  }
0x2e: {  	s12 =	smov.u32 @p0 s15  }
0x2f: {  	vm0 =	vlt.f32 v3, s12  }
0x30: {  	v4 =	vsel vm0, $0x1, v0  }
0x31: {  	(xrf0) =	vadd.scan.msk.s32 $0xffff, v4;
	_ =	sdelay $0x5  }
0x32: {  	v4, _, _ =	vpop (xrf0)  }
0x33: {  	(v2sf) =	vpush v4, $0xF;
	_ =	sdelay $0xe  }
0x34: {  	s15 =	spop (v2sf)  }
0x35: {  	p0 =	slt.s32 s15, $0x1  }
0x36: {  	v4 =	vlaneseq.u32 @!p0  }
0x37: {  	v5 =	vor.u32 @!p0 s17, v4  }
0x38: {  	(xrf1) =	vsort.ascd.msk.f32 @!p0 $0xffff, v3, v5;
	_ =	sdelay $0x9  }
0x39: {  	v3 =	vmul.u32 @!p0 $0xFFFFFFFF, v4;
	_ =	sdelay $0x1  }
0x3a: {  	v3 =	vadd.s32 @!p0 $0xF, v3  }
0x3b: {  	v4 =	vperm.xlane @!p0 v2, v3  }
0x3c: {  	v3 =	vperm.xlane @!p0 v1, v3;
	v5, v6, _ =	vpop @!p0 (xrf1)  }
0x3d: {  	vm0 =	vlt.f32 @!p0 v5, v4  }
0x3e: {  	v4 =	vsel @!p0 vm0, v5, v4;
	v3 =	vsel @!p0 vm0, v6, v3  }
0x3f: {  	(xrf1) =	vsort.ascd.msk.f32 @!p0 $0xffff, v4, v3;
	_ =	sdelay $0xd  }
0x40: {  	v3, v4, _ =	vpop @!p0 (xrf1)  }
0x41: {  	v2 =	vpsel p0, v2, v3;
	v1 =	vpsel p0, v1, v4;
	(xrf0) =	vmax.scan.msk.f32 @!p0 $0xffff, v3;
	_ =	sdelay $0x5  }
0x42: {  	v3, _, _ =	vpop @!p0 (xrf0)  }
0x43: {  	(v2sf) =	vpush @!p0 v3, $0xF;
	_ =	sdelay $0x4  }
.Ltmp0:
0x44: {  	(pc) =	sbr.rel @p1 .LBB2_3-.Ltmp0, $2  }
0x45: {  	_ =	sdelay $0x2  }
0x46: {  	s14 =	sadd.s32 $0x80, s14  }
0x47: {  	s13 =	simm.s32 $0x0  }
0x48: {  	s12 =	sand.u32 $0x70, s13;
	s14 =	sand.u32 $0x7C00, s13  }
0x49: {  	[tilespmem:$0x8000] =	vst v1;
	s12 =	sor.u32 s12, s14  }
0x4a: {  	v1 =	vld [tilespmem:s12+$0x80];
	_ =	sdelay $0x3  }
0x4b: {  	s12 =	simm.f32 $+Inf  }
0x4c: {  	vm0 =	vlt.f32 v1, s12  }
0x4d: {  	v2 =	vsel vm0, $0x1, v0  }
0x4e: {  	(xrf0) =	vadd.scan.msk.s32 $0xffff, v2;
	_ =	sdelay $0x5  }
0x4f: {  	v2, _, _ =	vpop (xrf0)  }
0x50: {  	(v2sf) =	vpush v2, $0xF;
	_ =	sdelay $0xd  }
0x51: {  	s14 =	spop @!p0 (v2sf)  }
0x52: {  	s14 =	spop (v2sf)  }
0x53: {  	p0 =	slt.s32 s14, $0x1  }
0x54: {  	v2 =	vlaneseq.u32 @!p0  }
0x55: {  	v3 =	vor.u32 @!p0 s13, v2  }
0x56: {  	(xrf1) =	vsort.ascd.msk.f32 @!p0 $0xffff, v1, v3;
	_ =	sdelay $0x9  }
0x57: {  	v1 =	vmul.u32 @!p0 $0xFFFFFFFF, v2;
	_ =	sdelay $0x1  }
0x58: {  	v2 =	vimm.f32 $+Inf;
	v1 =	vadd.s32 @!p0 $0xF, v1  }
0x59: {  	v3 =	vimm.s32 $0x0;
	v4 =	vperm.xlane @!p0 v2, v1  }
0x5a: {  	v1 =	vperm.xlane @!p0 v3, v1;
	v5, v6, _ =	vpop @!p0 (xrf1)  }
0x5b: {  	vm0 =	vlt.f32 @!p0 v5, v4  }
0x5c: {  	v4 =	vsel @!p0 vm0, v5, v4;
	v1 =	vsel @!p0 vm0, v6, v1  }
0x5d: {  	(xrf1) =	vsort.ascd.msk.f32 @!p0 $0xffff, v4, v1;
	_ =	sdelay $0xd  }
0x5e: {  	v1, v4, _ =	vpop @!p0 (xrf1)  }
0x5f: {  	(xrf0) =	vmax.scan.msk.f32 @!p0 $0xffff, v1;
	_ =	sdelay $0x5  }
0x60: {  	v5, _, _ =	vpop @!p0 (xrf0)  }
0x61: {  	(v2sf) =	vpush @!p0 v5, $0xF;
	_ =	sdelay $0x7  }
0x62: {  	s14 =	simm.s32 $0x80;
	s13 =	simm.s32 $0x10;
	v2 =	vpsel p0, v2, v1;
	v1 =	vpsel p0, v3, v4  }
.LBB2_5:
0x63: {  	s15 =	smov.u32 s12;
	s12 =	sand.u32 $0x70, s13  }
0x64: {  	s16 =	sand.u32 $0x7C00, s14;
	s17 =	smov.u32 s13;
	s13 =	sadd.s32 $0x10, s13  }
0x65: {  	s12 =	sor.u32 s12, s16;
	p1 =	sne.s32 s13, $0x1000  }
0x66: {  	v3 =	vld [tilespmem:s12+$0x80];
	_ =	sdelay $0x2  }
0x67: {  	s12 =	spop @!p0 (v2sf)  }
0x68: {  	s12 =	smov.u32 @p0 s15  }
0x69: {  	vm0 =	vlt.f32 v3, s12  }
0x6a: {  	v4 =	vsel vm0, $0x1, v0  }
0x6b: {  	(xrf0) =	vadd.scan.msk.s32 $0xffff, v4;
	_ =	sdelay $0x5  }
0x6c: {  	v4, _, _ =	vpop (xrf0)  }
0x6d: {  	(v2sf) =	vpush v4, $0xF;
	_ =	sdelay $0xe  }
0x6e: {  	s15 =	spop (v2sf)  }
0x6f: {  	p0 =	slt.s32 s15, $0x1  }
0x70: {  	v4 =	vlaneseq.u32 @!p0  }
0x71: {  	v5 =	vor.u32 @!p0 s17, v4  }
0x72: {  	(xrf1) =	vsort.ascd.msk.f32 @!p0 $0xffff, v3, v5;
	_ =	sdelay $0x9  }
0x73: {  	v3 =	vmul.u32 @!p0 $0xFFFFFFFF, v4;
	_ =	sdelay $0x1  }
0x74: {  	v3 =	vadd.s32 @!p0 $0xF, v3  }
0x75: {  	v4 =	vperm.xlane @!p0 v2, v3  }
0x76: {  	v3 =	vperm.xlane @!p0 v1, v3;
	v5, v6, _ =	vpop @!p0 (xrf1)  }
0x77: {  	vm0 =	vlt.f32 @!p0 v5, v4  }
0x78: {  	v4 =	vsel @!p0 vm0, v5, v4;
	v3 =	vsel @!p0 vm0, v6, v3  }
0x79: {  	(xrf1) =	vsort.ascd.msk.f32 @!p0 $0xffff, v4, v3;
	_ =	sdelay $0xd  }
0x7a: {  	v3, v4, _ =	vpop @!p0 (xrf1)  }
0x7b: {  	v2 =	vpsel p0, v2, v3;
	v1 =	vpsel p0, v1, v4;
	(xrf0) =	vmax.scan.msk.f32 @!p0 $0xffff, v3;
	_ =	sdelay $0x5  }
0x7c: {  	v3, _, _ =	vpop @!p0 (xrf0)  }
0x7d: {  	(v2sf) =	vpush @!p0 v3, $0xF;
	_ =	sdelay $0x4  }
.Ltmp1:
0x7e: {  	(pc) =	sbr.rel @p1 .LBB2_5-.Ltmp1, $2  }
0x7f: {  	_ =	sdelay $0x2  }
0x80: {  	s14 =	sadd.s32 $0x80, s14  }
0x81: {  	s13 =	simm.s32 $0x0  }
0x82: {  	s12 =	sand.u32 $0x70, s13;
	s14 =	sand.u32 $0x7C00, s13  }
0x83: {  	[tilespmem:$0x8080] =	vst v1;
	s12 =	sor.u32 s12, s14  }
0x84: {  	v1 =	vld [tilespmem:s12+$0x100];
	_ =	sdelay $0x3  }
0x85: {  	s12 =	simm.f32 $+Inf  }
0x86: {  	vm0 =	vlt.f32 v1, s12  }
0x87: {  	v2 =	vsel vm0, $0x1, v0  }
0x88: {  	(xrf0) =	vadd.scan.msk.s32 $0xffff, v2;
	_ =	sdelay $0x5  }
0x89: {  	v2, _, _ =	vpop (xrf0)  }
0x8a: {  	(v2sf) =	vpush v2, $0xF;
	_ =	sdelay $0xd  }
0x8b: {  	s14 =	spop @!p0 (v2sf)  }
0x8c: {  	s14 =	spop (v2sf)  }
0x8d: {  	p0 =	slt.s32 s14, $0x1  }
0x8e: {  	v2 =	vlaneseq.u32 @!p0  }
0x8f: {  	v3 =	vor.u32 @!p0 s13, v2  }
0x90: {  	(xrf1) =	vsort.ascd.msk.f32 @!p0 $0xffff, v1, v3;
	_ =	sdelay $0x9  }
0x91: {  	v1 =	vmul.u32 @!p0 $0xFFFFFFFF, v2;
	_ =	sdelay $0x1  }
0x92: {  	v2 =	vimm.f32 $+Inf;
	v1 =	vadd.s32 @!p0 $0xF, v1  }
0x93: {  	v3 =	vimm.s32 $0x0;
	v4 =	vperm.xlane @!p0 v2, v1  }
0x94: {  	v1 =	vperm.xlane @!p0 v3, v1;
	v5, v6, _ =	vpop @!p0 (xrf1)  }
0x95: {  	vm0 =	vlt.f32 @!p0 v5, v4  }
0x96: {  	v4 =	vsel @!p0 vm0, v5, v4;
	v1 =	vsel @!p0 vm0, v6, v1  }
0x97: {  	(xrf1) =	vsort.ascd.msk.f32 @!p0 $0xffff, v4, v1;
	_ =	sdelay $0xd  }
0x98: {  	v1, v4, _ =	vpop @!p0 (xrf1)  }
0x99: {  	(xrf0) =	vmax.scan.msk.f32 @!p0 $0xffff, v1;
	_ =	sdelay $0x5  }
0x9a: {  	v5, _, _ =	vpop @!p0 (xrf0)  }
0x9b: {  	(v2sf) =	vpush @!p0 v5, $0xF;
	_ =	sdelay $0x7  }
0x9c: {  	s14 =	simm.s32 $0x80;
	s13 =	simm.s32 $0x10;
	v2 =	vpsel p0, v2, v1;
	v1 =	vpsel p0, v3, v4  }
.LBB2_7:
0x9d: {  	s15 =	smov.u32 s12;
	s12 =	sand.u32 $0x70, s13  }
0x9e: {  	s16 =	sand.u32 $0x7C00, s14;
	s17 =	smov.u32 s13;
	s13 =	sadd.s32 $0x10, s13  }
0x9f: {  	s12 =	sor.u32 s12, s16;
	p1 =	sne.s32 s13, $0x1000  }
0xa0: {  	v3 =	vld [tilespmem:s12+$0x100];
	_ =	sdelay $0x2  }
0xa1: {  	s12 =	spop @!p0 (v2sf)  }
0xa2: {  	s12 =	smov.u32 @p0 s15  }
0xa3: {  	vm0 =	vlt.f32 v3, s12  }
0xa4: {  	v4 =	vsel vm0, $0x1, v0  }
0xa5: {  	(xrf0) =	vadd.scan.msk.s32 $0xffff, v4;
	_ =	sdelay $0x5  }
0xa6: {  	v4, _, _ =	vpop (xrf0)  }
0xa7: {  	(v2sf) =	vpush v4, $0xF;
	_ =	sdelay $0xe  }
0xa8: {  	s15 =	spop (v2sf)  }
0xa9: {  	p0 =	slt.s32 s15, $0x1  }
0xaa: {  	v4 =	vlaneseq.u32 @!p0  }
0xab: {  	v5 =	vor.u32 @!p0 s17, v4  }
0xac: {  	(xrf1) =	vsort.ascd.msk.f32 @!p0 $0xffff, v3, v5;
	_ =	sdelay $0x9  }
0xad: {  	v3 =	vmul.u32 @!p0 $0xFFFFFFFF, v4;
	_ =	sdelay $0x1  }
0xae: {  	v3 =	vadd.s32 @!p0 $0xF, v3  }
0xaf: {  	v4 =	vperm.xlane @!p0 v2, v3  }
0xb0: {  	v3 =	vperm.xlane @!p0 v1, v3;
	v5, v6, _ =	vpop @!p0 (xrf1)  }
0xb1: {  	vm0 =	vlt.f32 @!p0 v5, v4  }
0xb2: {  	v4 =	vsel @!p0 vm0, v5, v4;
	v3 =	vsel @!p0 vm0, v6, v3  }
0xb3: {  	(xrf1) =	vsort.ascd.msk.f32 @!p0 $0xffff, v4, v3;
	_ =	sdelay $0xd  }
0xb4: {  	v3, v4, _ =	vpop @!p0 (xrf1)  }
0xb5: {  	v2 =	vpsel p0, v2, v3;
	v1 =	vpsel p0, v1, v4;
	(xrf0) =	vmax.scan.msk.f32 @!p0 $0xffff, v3;
	_ =	sdelay $0x5  }
0xb6: {  	v3, _, _ =	vpop @!p0 (xrf0)  }
0xb7: {  	(v2sf) =	vpush @!p0 v3, $0xF;
	_ =	sdelay $0x4  }
.Ltmp2:
0xb8: {  	(pc) =	sbr.rel @p1 .LBB2_7-.Ltmp2, $2  }
0xb9: {  	_ =	sdelay $0x2  }
0xba: {  	s14 =	sadd.s32 $0x80, s14  }
0xbb: {  	s13 =	simm.s32 $0x0  }
0xbc: {  	s12 =	sand.u32 $0x70, s13;
	s14 =	sand.u32 $0x7C00, s13  }
0xbd: {  	[tilespmem:$0x8100] =	vst v1;
	s12 =	sor.u32 s12, s14  }
0xbe: {  	v1 =	vld [tilespmem:s12+$0x180];
	_ =	sdelay $0x3  }
0xbf: {  	s12 =	simm.f32 $+Inf  }
0xc0: {  	vm0 =	vlt.f32 v1, s12  }
0xc1: {  	v2 =	vsel vm0, $0x1, v0  }
0xc2: {  	(xrf0) =	vadd.scan.msk.s32 $0xffff, v2;
	_ =	sdelay $0x5  }
0xc3: {  	v2, _, _ =	vpop (xrf0)  }
0xc4: {  	(v2sf) =	vpush v2, $0xF;
	_ =	sdelay $0xd  }
0xc5: {  	s14 =	spop @!p0 (v2sf)  }
0xc6: {  	s14 =	spop (v2sf)  }
0xc7: {  	p0 =	slt.s32 s14, $0x1  }
0xc8: {  	v2 =	vlaneseq.u32 @!p0  }
0xc9: {  	v3 =	vor.u32 @!p0 s13, v2  }
0xca: {  	(xrf1) =	vsort.ascd.msk.f32 @!p0 $0xffff, v1, v3;
	_ =	sdelay $0x9  }
0xcb: {  	v1 =	vmul.u32 @!p0 $0xFFFFFFFF, v2;
	_ =	sdelay $0x1  }
0xcc: {  	v2 =	vimm.f32 $+Inf;
	v1 =	vadd.s32 @!p0 $0xF, v1  }
0xcd: {  	v3 =	vimm.s32 $0x0;
	v4 =	vperm.xlane @!p0 v2, v1  }
0xce: {  	v1 =	vperm.xlane @!p0 v3, v1;
	v5, v6, _ =	vpop @!p0 (xrf1)  }
0xcf: {  	vm0 =	vlt.f32 @!p0 v5, v4  }
0xd0: {  	v4 =	vsel @!p0 vm0, v5, v4;
	v1 =	vsel @!p0 vm0, v6, v1  }
0xd1: {  	(xrf1) =	vsort.ascd.msk.f32 @!p0 $0xffff, v4, v1;
	_ =	sdelay $0xd  }
0xd2: {  	v1, v4, _ =	vpop @!p0 (xrf1)  }
0xd3: {  	(xrf0) =	vmax.scan.msk.f32 @!p0 $0xffff, v1;
	_ =	sdelay $0x5  }
0xd4: {  	v5, _, _ =	vpop @!p0 (xrf0)  }
0xd5: {  	(v2sf) =	vpush @!p0 v5, $0xF;
	_ =	sdelay $0x7  }
0xd6: {  	s14 =	simm.s32 $0x80;
	s13 =	simm.s32 $0x10;
	v2 =	vpsel p0, v2, v1;
	v1 =	vpsel p0, v3, v4  }
.LBB2_9:
0xd7: {  	s15 =	smov.u32 s12;
	s12 =	sand.u32 $0x70, s13  }
0xd8: {  	s16 =	sand.u32 $0x7C00, s14;
	s17 =	smov.u32 s13;
	s13 =	sadd.s32 $0x10, s13  }
0xd9: {  	s12 =	sor.u32 s12, s16;
	p1 =	sne.s32 s13, $0x1000  }
0xda: {  	v3 =	vld [tilespmem:s12+$0x180];
	_ =	sdelay $0x2  }
0xdb: {  	s12 =	spop @!p0 (v2sf)  }
0xdc: {  	s12 =	smov.u32 @p0 s15  }
0xdd: {  	vm0 =	vlt.f32 v3, s12  }
0xde: {  	v4 =	vsel vm0, $0x1, v0  }
0xdf: {  	(xrf0) =	vadd.scan.msk.s32 $0xffff, v4;
	_ =	sdelay $0x5  }
0xe0: {  	v4, _, _ =	vpop (xrf0)  }
0xe1: {  	(v2sf) =	vpush v4, $0xF;
	_ =	sdelay $0xe  }
0xe2: {  	s15 =	spop (v2sf)  }
0xe3: {  	p0 =	slt.s32 s15, $0x1  }
0xe4: {  	v4 =	vlaneseq.u32 @!p0  }
0xe5: {  	v5 =	vor.u32 @!p0 s17, v4  }
0xe6: {  	(xrf1) =	vsort.ascd.msk.f32 @!p0 $0xffff, v3, v5;
	_ =	sdelay $0x9  }
0xe7: {  	v3 =	vmul.u32 @!p0 $0xFFFFFFFF, v4;
	_ =	sdelay $0x1  }
0xe8: {  	v3 =	vadd.s32 @!p0 $0xF, v3  }
0xe9: {  	v4 =	vperm.xlane @!p0 v2, v3  }
0xea: {  	v3 =	vperm.xlane @!p0 v1, v3;
	v5, v6, _ =	vpop @!p0 (xrf1)  }
0xeb: {  	vm0 =	vlt.f32 @!p0 v5, v4  }
0xec: {  	v4 =	vsel @!p0 vm0, v5, v4;
	v3 =	vsel @!p0 vm0, v6, v3  }
0xed: {  	(xrf1) =	vsort.ascd.msk.f32 @!p0 $0xffff, v4, v3;
	_ =	sdelay $0xd  }
0xee: {  	v3, v4, _ =	vpop @!p0 (xrf1)  }
0xef: {  	v2 =	vpsel p0, v2, v3;
	v1 =	vpsel p0, v1, v4;
	(xrf0) =	vmax.scan.msk.f32 @!p0 $0xffff, v3;
	_ =	sdelay $0x5  }
0xf0: {  	v3, _, _ =	vpop @!p0 (xrf0)  }
0xf1: {  	(v2sf) =	vpush @!p0 v3, $0xF;
	_ =	sdelay $0x4  }
.Ltmp3:
0xf2: {  	(pc) =	sbr.rel @p1 .LBB2_9-.Ltmp3, $2  }
0xf3: {  	_ =	sdelay $0x2  }
0xf4: {  	s14 =	sadd.s32 $0x80, s14  }
0xf5: {  	s13 =	simm.s32 $0x0  }
0xf6: {  	s12 =	sand.u32 $0x70, s13;
	s14 =	sand.u32 $0x7C00, s13  }
0xf7: {  	[tilespmem:$0x8180] =	vst v1;
	s12 =	sor.u32 s12, s14  }
0xf8: {  	v1 =	vld [tilespmem:s12+$0x200];
	_ =	sdelay $0x3  }
0xf9: {  	s12 =	simm.f32 $+Inf  }
0xfa: {  	vm0 =	vlt.f32 v1, s12  }
0xfb: {  	v2 =	vsel vm0, $0x1, v0  }
0xfc: {  	(xrf0) =	vadd.scan.msk.s32 $0xffff, v2;
	_ =	sdelay $0x5  }
0xfd: {  	v2, _, _ =	vpop (xrf0)  }
0xfe: {  	(v2sf) =	vpush v2, $0xF;
	_ =	sdelay $0xd  }
0xff: {  	s14 =	spop @!p0 (v2sf)  }
0x100: {  	s14 =	spop (v2sf)  }
0x101: {  	p0 =	slt.s32 s14, $0x1  }
0x102: {  	v2 =	vlaneseq.u32 @!p0  }
0x103: {  	v3 =	vor.u32 @!p0 s13, v2  }
0x104: {  	(xrf1) =	vsort.ascd.msk.f32 @!p0 $0xffff, v1, v3;
	_ =	sdelay $0x9  }
0x105: {  	v1 =	vmul.u32 @!p0 $0xFFFFFFFF, v2;
	_ =	sdelay $0x1  }
0x106: {  	v2 =	vimm.f32 $+Inf;
	v1 =	vadd.s32 @!p0 $0xF, v1  }
0x107: {  	v3 =	vimm.s32 $0x0;
	v4 =	vperm.xlane @!p0 v2, v1  }
0x108: {  	v1 =	vperm.xlane @!p0 v3, v1;
	v5, v6, _ =	vpop @!p0 (xrf1)  }
0x109: {  	vm0 =	vlt.f32 @!p0 v5, v4  }
0x10a: {  	v4 =	vsel @!p0 vm0, v5, v4;
	v1 =	vsel @!p0 vm0, v6, v1  }
0x10b: {  	(xrf1) =	vsort.ascd.msk.f32 @!p0 $0xffff, v4, v1;
	_ =	sdelay $0xd  }
0x10c: {  	v1, v4, _ =	vpop @!p0 (xrf1)  }
0x10d: {  	(xrf0) =	vmax.scan.msk.f32 @!p0 $0xffff, v1;
	_ =	sdelay $0x5  }
0x10e: {  	v5, _, _ =	vpop @!p0 (xrf0)  }
0x10f: {  	(v2sf) =	vpush @!p0 v5, $0xF;
	_ =	sdelay $0x7  }
0x110: {  	s14 =	simm.s32 $0x80;
	s13 =	simm.s32 $0x10;
	v2 =	vpsel p0, v2, v1;
	v1 =	vpsel p0, v3, v4  }
.LBB2_11:
0x111: {  	s15 =	smov.u32 s12;
	s12 =	sand.u32 $0x70, s13  }
0x112: {  	s16 =	sand.u32 $0x7C00, s14;
	s17 =	smov.u32 s13;
	s13 =	sadd.s32 $0x10, s13  }
0x113: {  	s12 =	sor.u32 s12, s16;
	p1 =	sne.s32 s13, $0x1000  }
0x114: {  	v3 =	vld [tilespmem:s12+$0x200];
	_ =	sdelay $0x2  }
0x115: {  	s12 =	spop @!p0 (v2sf)  }
0x116: {  	s12 =	smov.u32 @p0 s15  }
0x117: {  	vm0 =	vlt.f32 v3, s12  }
0x118: {  	v4 =	vsel vm0, $0x1, v0  }
0x119: {  	(xrf0) =	vadd.scan.msk.s32 $0xffff, v4;
	_ =	sdelay $0x5  }
0x11a: {  	v4, _, _ =	vpop (xrf0)  }
0x11b: {  	(v2sf) =	vpush v4, $0xF;
	_ =	sdelay $0xe  }
0x11c: {  	s15 =	spop (v2sf)  }
0x11d: {  	p0 =	slt.s32 s15, $0x1  }
0x11e: {  	v4 =	vlaneseq.u32 @!p0  }
0x11f: {  	v5 =	vor.u32 @!p0 s17, v4  }
0x120: {  	(xrf1) =	vsort.ascd.msk.f32 @!p0 $0xffff, v3, v5;
	_ =	sdelay $0x9  }
0x121: {  	v3 =	vmul.u32 @!p0 $0xFFFFFFFF, v4;
	_ =	sdelay $0x1  }
0x122: {  	v3 =	vadd.s32 @!p0 $0xF, v3  }
0x123: {  	v4 =	vperm.xlane @!p0 v2, v3  }
0x124: {  	v3 =	vperm.xlane @!p0 v1, v3;
	v5, v6, _ =	vpop @!p0 (xrf1)  }
0x125: {  	vm0 =	vlt.f32 @!p0 v5, v4  }
0x126: {  	v4 =	vsel @!p0 vm0, v5, v4;
	v3 =	vsel @!p0 vm0, v6, v3  }
0x127: {  	(xrf1) =	vsort.ascd.msk.f32 @!p0 $0xffff, v4, v3;
	_ =	sdelay $0xd  }
0x128: {  	v3, v4, _ =	vpop @!p0 (xrf1)  }
0x129: {  	v2 =	vpsel p0, v2, v3;
	v1 =	vpsel p0, v1, v4;
	(xrf0) =	vmax.scan.msk.f32 @!p0 $0xffff, v3;
	_ =	sdelay $0x5  }
0x12a: {  	v3, _, _ =	vpop @!p0 (xrf0)  }
0x12b: {  	(v2sf) =	vpush @!p0 v3, $0xF;
	_ =	sdelay $0x4  }
.Ltmp4:
0x12c: {  	(pc) =	sbr.rel @p1 .LBB2_11-.Ltmp4, $2  }
0x12d: {  	_ =	sdelay $0x2  }
0x12e: {  	s14 =	sadd.s32 $0x80, s14  }
0x12f: {  	s13 =	simm.s32 $0x0  }
0x130: {  	s12 =	sand.u32 $0x70, s13;
	s14 =	sand.u32 $0x7C00, s13  }
0x131: {  	[tilespmem:$0x8200] =	vst v1;
	s12 =	sor.u32 s12, s14  }
0x132: {  	v1 =	vld [tilespmem:s12+$0x280];
	_ =	sdelay $0x3  }
0x133: {  	s12 =	simm.f32 $+Inf  }
0x134: {  	vm0 =	vlt.f32 v1, s12  }
0x135: {  	v2 =	vsel vm0, $0x1, v0  }
0x136: {  	(xrf0) =	vadd.scan.msk.s32 $0xffff, v2;
	_ =	sdelay $0x5  }
0x137: {  	v2, _, _ =	vpop (xrf0)  }
0x138: {  	(v2sf) =	vpush v2, $0xF;
	_ =	sdelay $0xd  }
0x139: {  	s14 =	spop @!p0 (v2sf)  }
0x13a: {  	s14 =	spop (v2sf)  }
0x13b: {  	p0 =	slt.s32 s14, $0x1  }
0x13c: {  	v2 =	vlaneseq.u32 @!p0  }
0x13d: {  	v3 =	vor.u32 @!p0 s13, v2  }
0x13e: {  	(xrf1) =	vsort.ascd.msk.f32 @!p0 $0xffff, v1, v3;
	_ =	sdelay $0x9  }
0x13f: {  	v1 =	vmul.u32 @!p0 $0xFFFFFFFF, v2;
	_ =	sdelay $0x1  }
0x140: {  	v2 =	vimm.f32 $+Inf;
	v1 =	vadd.s32 @!p0 $0xF, v1  }
0x141: {  	v3 =	vimm.s32 $0x0;
	v4 =	vperm.xlane @!p0 v2, v1  }
0x142: {  	v1 =	vperm.xlane @!p0 v3, v1;
	v5, v6, _ =	vpop @!p0 (xrf1)  }
0x143: {  	vm0 =	vlt.f32 @!p0 v5, v4  }
0x144: {  	v4 =	vsel @!p0 vm0, v5, v4;
	v1 =	vsel @!p0 vm0, v6, v1  }
0x145: {  	(xrf1) =	vsort.ascd.msk.f32 @!p0 $0xffff, v4, v1;
	_ =	sdelay $0xd  }
0x146: {  	v1, v4, _ =	vpop @!p0 (xrf1)  }
0x147: {  	(xrf0) =	vmax.scan.msk.f32 @!p0 $0xffff, v1;
	_ =	sdelay $0x5  }
0x148: {  	v5, _, _ =	vpop @!p0 (xrf0)  }
0x149: {  	(v2sf) =	vpush @!p0 v5, $0xF;
	_ =	sdelay $0x7  }
0x14a: {  	s14 =	simm.s32 $0x80;
	s13 =	simm.s32 $0x10;
	v2 =	vpsel p0, v2, v1;
	v1 =	vpsel p0, v3, v4  }
.LBB2_13:
0x14b: {  	s15 =	smov.u32 s12;
	s12 =	sand.u32 $0x70, s13  }
0x14c: {  	s16 =	sand.u32 $0x7C00, s14;
	s17 =	smov.u32 s13;
	s13 =	sadd.s32 $0x10, s13  }
0x14d: {  	s12 =	sor.u32 s12, s16;
	p1 =	sne.s32 s13, $0x1000  }
0x14e: {  	v3 =	vld [tilespmem:s12+$0x280];
	_ =	sdelay $0x2  }
0x14f: {  	s12 =	spop @!p0 (v2sf)  }
0x150: {  	s12 =	smov.u32 @p0 s15  }
0x151: {  	vm0 =	vlt.f32 v3, s12  }
0x152: {  	v4 =	vsel vm0, $0x1, v0  }
0x153: {  	(xrf0) =	vadd.scan.msk.s32 $0xffff, v4;
	_ =	sdelay $0x5  }
0x154: {  	v4, _, _ =	vpop (xrf0)  }
0x155: {  	(v2sf) =	vpush v4, $0xF;
	_ =	sdelay $0xe  }
0x156: {  	s15 =	spop (v2sf)  }
0x157: {  	p0 =	slt.s32 s15, $0x1  }
0x158: {  	v4 =	vlaneseq.u32 @!p0  }
0x159: {  	v5 =	vor.u32 @!p0 s17, v4  }
0x15a: {  	(xrf1) =	vsort.ascd.msk.f32 @!p0 $0xffff, v3, v5;
	_ =	sdelay $0x9  }
0x15b: {  	v3 =	vmul.u32 @!p0 $0xFFFFFFFF, v4;
	_ =	sdelay $0x1  }
0x15c: {  	v3 =	vadd.s32 @!p0 $0xF, v3  }
0x15d: {  	v4 =	vperm.xlane @!p0 v2, v3  }
0x15e: {  	v3 =	vperm.xlane @!p0 v1, v3;
	v5, v6, _ =	vpop @!p0 (xrf1)  }
0x15f: {  	vm0 =	vlt.f32 @!p0 v5, v4  }
0x160: {  	v4 =	vsel @!p0 vm0, v5, v4;
	v3 =	vsel @!p0 vm0, v6, v3  }
0x161: {  	(xrf1) =	vsort.ascd.msk.f32 @!p0 $0xffff, v4, v3;
	_ =	sdelay $0xd  }
0x162: {  	v3, v4, _ =	vpop @!p0 (xrf1)  }
0x163: {  	v2 =	vpsel p0, v2, v3;
	v1 =	vpsel p0, v1, v4;
	(xrf0) =	vmax.scan.msk.f32 @!p0 $0xffff, v3;
	_ =	sdelay $0x5  }
0x164: {  	v3, _, _ =	vpop @!p0 (xrf0)  }
0x165: {  	(v2sf) =	vpush @!p0 v3, $0xF;
	_ =	sdelay $0x4  }
.Ltmp5:
0x166: {  	(pc) =	sbr.rel @p1 .LBB2_13-.Ltmp5, $2  }
0x167: {  	_ =	sdelay $0x2  }
0x168: {  	s14 =	sadd.s32 $0x80, s14  }
0x169: {  	s13 =	simm.s32 $0x0  }
0x16a: {  	s12 =	sand.u32 $0x70, s13;
	s14 =	sand.u32 $0x7C00, s13  }
0x16b: {  	[tilespmem:$0x8280] =	vst v1;
	s12 =	sor.u32 s12, s14  }
0x16c: {  	v1 =	vld [tilespmem:s12+$0x300];
	_ =	sdelay $0x3  }
0x16d: {  	s12 =	simm.f32 $+Inf  }
0x16e: {  	vm0 =	vlt.f32 v1, s12  }
0x16f: {  	v2 =	vsel vm0, $0x1, v0  }
0x170: {  	(xrf0) =	vadd.scan.msk.s32 $0xffff, v2;
	_ =	sdelay $0x5  }
0x171: {  	v2, _, _ =	vpop (xrf0)  }
0x172: {  	(v2sf) =	vpush v2, $0xF;
	_ =	sdelay $0xd  }
0x173: {  	s14 =	spop @!p0 (v2sf)  }
0x174: {  	s14 =	spop (v2sf)  }
0x175: {  	p0 =	slt.s32 s14, $0x1  }
0x176: {  	v2 =	vlaneseq.u32 @!p0  }
0x177: {  	v3 =	vor.u32 @!p0 s13, v2  }
0x178: {  	(xrf1) =	vsort.ascd.msk.f32 @!p0 $0xffff, v1, v3;
	_ =	sdelay $0x9  }
0x179: {  	v1 =	vmul.u32 @!p0 $0xFFFFFFFF, v2;
	_ =	sdelay $0x1  }
0x17a: {  	v2 =	vimm.f32 $+Inf;
	v1 =	vadd.s32 @!p0 $0xF, v1  }
0x17b: {  	v3 =	vimm.s32 $0x0;
	v4 =	vperm.xlane @!p0 v2, v1  }
0x17c: {  	v1 =	vperm.xlane @!p0 v3, v1;
	v5, v6, _ =	vpop @!p0 (xrf1)  }
0x17d: {  	vm0 =	vlt.f32 @!p0 v5, v4  }
0x17e: {  	v4 =	vsel @!p0 vm0, v5, v4;
	v1 =	vsel @!p0 vm0, v6, v1  }
0x17f: {  	(xrf1) =	vsort.ascd.msk.f32 @!p0 $0xffff, v4, v1;
	_ =	sdelay $0xd  }
0x180: {  	v1, v4, _ =	vpop @!p0 (xrf1)  }
0x181: {  	(xrf0) =	vmax.scan.msk.f32 @!p0 $0xffff, v1;
	_ =	sdelay $0x5  }
0x182: {  	v5, _, _ =	vpop @!p0 (xrf0)  }
0x183: {  	(v2sf) =	vpush @!p0 v5, $0xF;
	_ =	sdelay $0x7  }
0x184: {  	s14 =	simm.s32 $0x80;
	s13 =	simm.s32 $0x10;
	v2 =	vpsel p0, v2, v1;
	v1 =	vpsel p0, v3, v4  }
.LBB2_15:
0x185: {  	s15 =	smov.u32 s12;
	s12 =	sand.u32 $0x70, s13  }
0x186: {  	s16 =	sand.u32 $0x7C00, s14;
	s17 =	smov.u32 s13;
	s13 =	sadd.s32 $0x10, s13  }
0x187: {  	s12 =	sor.u32 s12, s16;
	p1 =	sne.s32 s13, $0x1000  }
0x188: {  	v3 =	vld [tilespmem:s12+$0x300];
	_ =	sdelay $0x2  }
0x189: {  	s12 =	spop @!p0 (v2sf)  }
0x18a: {  	s12 =	smov.u32 @p0 s15  }
0x18b: {  	vm0 =	vlt.f32 v3, s12  }
0x18c: {  	v4 =	vsel vm0, $0x1, v0  }
0x18d: {  	(xrf0) =	vadd.scan.msk.s32 $0xffff, v4;
	_ =	sdelay $0x5  }
0x18e: {  	v4, _, _ =	vpop (xrf0)  }
0x18f: {  	(v2sf) =	vpush v4, $0xF;
	_ =	sdelay $0xe  }
0x190: {  	s15 =	spop (v2sf)  }
0x191: {  	p0 =	slt.s32 s15, $0x1  }
0x192: {  	v4 =	vlaneseq.u32 @!p0  }
0x193: {  	v5 =	vor.u32 @!p0 s17, v4  }
0x194: {  	(xrf1) =	vsort.ascd.msk.f32 @!p0 $0xffff, v3, v5;
	_ =	sdelay $0x9  }
0x195: {  	v3 =	vmul.u32 @!p0 $0xFFFFFFFF, v4;
	_ =	sdelay $0x1  }
0x196: {  	v3 =	vadd.s32 @!p0 $0xF, v3  }
0x197: {  	v4 =	vperm.xlane @!p0 v2, v3  }
0x198: {  	v3 =	vperm.xlane @!p0 v1, v3;
	v5, v6, _ =	vpop @!p0 (xrf1)  }
0x199: {  	vm0 =	vlt.f32 @!p0 v5, v4  }
0x19a: {  	v4 =	vsel @!p0 vm0, v5, v4;
	v3 =	vsel @!p0 vm0, v6, v3  }
0x19b: {  	(xrf1) =	vsort.ascd.msk.f32 @!p0 $0xffff, v4, v3;
	_ =	sdelay $0xd  }
0x19c: {  	v3, v4, _ =	vpop @!p0 (xrf1)  }
0x19d: {  	v2 =	vpsel p0, v2, v3;
	v1 =	vpsel p0, v1, v4;
	(xrf0) =	vmax.scan.msk.f32 @!p0 $0xffff, v3;
	_ =	sdelay $0x5  }
0x19e: {  	v3, _, _ =	vpop @!p0 (xrf0)  }
0x19f: {  	(v2sf) =	vpush @!p0 v3, $0xF;
	_ =	sdelay $0x4  }
.Ltmp6:
0x1a0: {  	(pc) =	sbr.rel @p1 .LBB2_15-.Ltmp6, $2  }
0x1a1: {  	_ =	sdelay $0x2  }
0x1a2: {  	s14 =	sadd.s32 $0x80, s14  }
0x1a3: {  	s12 =	simm.s32 $0x0  }
0x1a4: {  	s13 =	sand.u32 $0x7, s12  }
0x1a5: {  	s13 =	sshll.u32 s13, $0x4  }
0x1a6: {  	s13 =	sadd.s32 $0x0, s13  }
0x1a7: {  	[tilespmem:$0x8300] =	vst v1;
	s13 =	sor.u32 $0x380, s13  }
0x1a8: {  	v1 =	vld [tilespmem:s13+$0x0];
	_ =	sdelay $0x3  }
0x1a9: {  	s13 =	simm.f32 $+Inf  }
0x1aa: {  	vm0 =	vlt.f32 v1, s13  }
0x1ab: {  	v2 =	vsel vm0, $0x1, v0  }
0x1ac: {  	(xrf0) =	vadd.scan.msk.s32 $0xffff, v2;
	_ =	sdelay $0x5  }
0x1ad: {  	v2, _, _ =	vpop (xrf0)  }
0x1ae: {  	(v2sf) =	vpush v2, $0xF;
	_ =	sdelay $0xd  }
0x1af: {  	s14 =	spop @!p0 (v2sf)  }
0x1b0: {  	s14 =	spop (v2sf)  }
0x1b1: {  	p0 =	slt.s32 s14, $0x1  }
0x1b2: {  	v2 =	vlaneseq.u32 @!p0  }
0x1b3: {  	v3 =	vor.u32 @!p0 s12, v2  }
0x1b4: {  	(xrf1) =	vsort.ascd.msk.f32 @!p0 $0xffff, v1, v3;
	_ =	sdelay $0x9  }
0x1b5: {  	v1 =	vmul.u32 @!p0 $0xFFFFFFFF, v2;
	_ =	sdelay $0x1  }
0x1b6: {  	v2 =	vimm.f32 $+Inf;
	v1 =	vadd.s32 @!p0 $0xF, v1  }
0x1b7: {  	v3 =	vimm.s32 $0x0;
	v4 =	vperm.xlane @!p0 v2, v1  }
0x1b8: {  	v1 =	vperm.xlane @!p0 v3, v1;
	v5, v6, _ =	vpop @!p0 (xrf1)  }
0x1b9: {  	vm0 =	vlt.f32 @!p0 v5, v4  }
0x1ba: {  	v4 =	vsel @!p0 vm0, v5, v4;
	v1 =	vsel @!p0 vm0, v6, v1  }
0x1bb: {  	(xrf1) =	vsort.ascd.msk.f32 @!p0 $0xffff, v4, v1;
	_ =	sdelay $0xd  }
0x1bc: {  	v1, v4, _ =	vpop @!p0 (xrf1)  }
0x1bd: {  	(xrf0) =	vmax.scan.msk.f32 @!p0 $0xffff, v1;
	_ =	sdelay $0x5  }
0x1be: {  	v5, _, _ =	vpop @!p0 (xrf0)  }
0x1bf: {  	(v2sf) =	vpush @!p0 v5, $0xF;
	_ =	sdelay $0x5  }
0x1c0: {  	s15 =	simm.s32 $0x1;
	s14 =	simm.s32 $0x10;
	v2 =	vpsel p0, v2, v1;
	v1 =	vpsel p0, v3, v4  }
.LBB2_17:
0x1c1: {  	s16 =	smov.u32 s13  }
0x1c2: {  	s13 =	sand.u32 $0x7, s15;
	s17 =	smov.u32 s14;
	s14 =	sadd.s32 $0x10, s14  }
0x1c3: {  	s12 =	sadd.s32 $0x80, s12;
	s13 =	sshll.u32 s13, $0x4;
	p1 =	sne.s32 s14, $0x1000  }
0x1c4: {  	s13 =	sadd.s32 s13, s12  }
0x1c5: {  	s13 =	sor.u32 $0x380, s13  }
0x1c6: {  	v3 =	vld [tilespmem:s13+$0x0];
	_ =	sdelay $0x2  }
0x1c7: {  	s13 =	spop @!p0 (v2sf)  }
0x1c8: {  	s13 =	smov.u32 @p0 s16  }
0x1c9: {  	vm0 =	vlt.f32 v3, s13  }
0x1ca: {  	v4 =	vsel vm0, $0x1, v0  }
0x1cb: {  	(xrf0) =	vadd.scan.msk.s32 $0xffff, v4;
	_ =	sdelay $0x5  }
0x1cc: {  	v4, _, _ =	vpop (xrf0)  }
0x1cd: {  	(v2sf) =	vpush v4, $0xF;
	_ =	sdelay $0xe  }
0x1ce: {  	s16 =	spop (v2sf)  }
0x1cf: {  	p0 =	slt.s32 s16, $0x1  }
0x1d0: {  	v4 =	vlaneseq.u32 @!p0  }
0x1d1: {  	v5 =	vor.u32 @!p0 s17, v4  }
0x1d2: {  	(xrf1) =	vsort.ascd.msk.f32 @!p0 $0xffff, v3, v5;
	_ =	sdelay $0x9  }
0x1d3: {  	v3 =	vmul.u32 @!p0 $0xFFFFFFFF, v4;
	_ =	sdelay $0x1  }
0x1d4: {  	v3 =	vadd.s32 @!p0 $0xF, v3  }
0x1d5: {  	v4 =	vperm.xlane @!p0 v2, v3  }
0x1d6: {  	v3 =	vperm.xlane @!p0 v1, v3;
	v5, v6, _ =	vpop @!p0 (xrf1)  }
0x1d7: {  	vm0 =	vlt.f32 @!p0 v5, v4  }
0x1d8: {  	v4 =	vsel @!p0 vm0, v5, v4;
	v3 =	vsel @!p0 vm0, v6, v3  }
0x1d9: {  	(xrf1) =	vsort.ascd.msk.f32 @!p0 $0xffff, v4, v3;
	_ =	sdelay $0xd  }
0x1da: {  	v3, v4, _ =	vpop @!p0 (xrf1)  }
0x1db: {  	v2 =	vpsel p0, v2, v3;
	v1 =	vpsel p0, v1, v4;
	(xrf0) =	vmax.scan.msk.f32 @!p0 $0xffff, v3;
	_ =	sdelay $0x5  }
0x1dc: {  	v3, _, _ =	vpop @!p0 (xrf0)  }
0x1dd: {  	(v2sf) =	vpush @!p0 v3, $0xF;
	_ =	sdelay $0x2  }
.Ltmp7:
0x1de: {  	(pc) =	sbr.rel @p1 .LBB2_17-.Ltmp7, $2  }
0x1df: {  	_ =	sdelay $0x2  }
0x1e0: {  	s15 =	sadd.s32 $0x1, s15  }
0x1e1: {  	_ =	sdelay $0x5  }
0x1e2: {  	s10 =	sadd.s32 $0x1, s10  }
0x1e3: {  	s11 =	sshll.u32 s11, $0x7;
	s12 =	spop @!p0 (v2sf);
	p0 =	sne.s32 s10, $0x40  }
.Ltmp8:
0x1e4: {  	[tilespmem:$0x8380] =	vst v1;
	s11 =	sadd.s32 s4, s11;
	(pc) =	sbr.rel @p0 .LBB2_2-.Ltmp8, $4  }
0x1e5: {  	[hbm4b:s11+s1] =	stream.linear.scatter [tilespmem:s8], [sflag:$0x1], $0x400, $0x38;
	[tilespmem:$0x8400] =	vst v63  }
0x1e6: {  	_ =	swait.ge [sflag:s7], $0x400  }
0x1e7: {  	[sflag:s7] =	ssyncset.done $0x0  }
0x1e8: {  	[sflag:s7] =	ssyncadd.s32 $0xFFFFFC00  }
0x1e9: {  	s9 =	sadd.s32 $0x1, s9  }
0x1ea: {  	p0 =	sne.s32 s9, s6  }
.Ltmp9:
0x1eb: {  	_ = 	snop;
	(pc) =	sbr.rel @p0 .LBB2_1-.Ltmp9, $1  }
0x1ec: {  	_ =	sdelay $0x3  }
0x1ed: {  	_ =	sfence.sel $0x180000  }
0x1ee: {  	[bflag:$0x0] =	sbarrier.arrive $0xFFFF  }
0x1ef: {  	p0 =	sne.s32 s2, $0x0;
	_ =	strace $0x90000047  }
0x1f0: {  	s0 =	sadd.s32 @!p0 $0x100000, s0;
	[bflag:$0x2] =	sbarrier.arrive $0xFFFF  }
0x1f1: {  	[sflag:s0] =	ssyncadd.tile.s32 @!p0 $0x1;
	_ =	shalt  }
.Lfunc_end2:
_tile_overlayer_lowered:
.L_overlay_start_2:
0x1f2: {  	(tag) =	ssettag $0x2  }
0x1f3: {  	s0 =	rddreg [dreg:$0x0];
	s2 =	stileid.u32  }
0x1f4: {  	s1 =	rddreg [dreg:$0x1];
	p0 =	sne.s32 s2, $0x0  }
0x1f5: {  	s3 =	rddreg [dreg:$0x2];
	[bflag:$0x3] =	sbarrier.arrive $0xFFFF;
	s2 =	simm.s32 @!p0 $0x1C01  }
0x1f6: {  	[timem:s3], [sflag:s2] =	dma.local @!p0 [hbm:s0], s1  }
0x1f7: {  	s0 =	simm.s32 @!p0 $0x1  }
0x1f8: {  	_ =	swait.ge @!p0 [sflag:s0], s1  }
0x1f9: {  	s1 =	ssub.s32 @!p0 $0x0, s1;
	[sflag:s0] =	ssyncset.done @!p0 $0x0  }
0x1fa: {  	[sflag:s0] =	ssyncadd.s32 @!p0 s1  }
0x1fb: {  	[bflag:$0x3] =	sbarrier.arrive $0xFFFF  }
0x1fc: {  	_ =	shalt  }

</sc_bundles>
